<compile_context>
chip_gen: v7x
topology: tpu7x:2x2x1
jax: 0.10.2.dev20260603
libtpu: 0.0.44.dev20260713+nightly
codegen_flags: <defaults>
</compile_context>

<pallas_src>
import functools

import jax
import jax.numpy as jnp
from jax import lax
from jax.experimental import pallas as pl
from jax.experimental.pallas import tpu as pltpu
from jax.experimental.pallas import tpu_sc as plsc

B = 16384
XDIM = 64
LANES = 16
TILE_R = 8
TILE_C = 128
FT = XDIM // TILE_R
ST = B // TILE_C
NUM_CORES = 2
NUM_SUBCORES = 16
NUM_WORKERS = NUM_CORES * NUM_SUBCORES
ROWS_PER_W = XDIM // NUM_WORKERS
B_PER_W = B // NUM_WORKERS

_mesh = plsc.VectorSubcoreMesh(
    core_axis_name="c", subcore_axis_name="s",
    num_cores=NUM_CORES, num_subcores=NUM_SUBCORES,
)


@functools.partial(
    pl.kernel,
    out_type=(
        jax.ShapeDtypeStruct((B,), jnp.int32),
        jax.ShapeDtypeStruct((FT, ST, TILE_R, TILE_C), jnp.float32),
        jax.ShapeDtypeStruct((B,), jnp.int32),
        jax.ShapeDtypeStruct((B,), jnp.float32),
    ),
    mesh=_mesh,
    compiler_params=pltpu.CompilerParams(
        use_tc_tiling_on_sc=False, needs_layout_passes=False),
    scratch_types=[
        pltpu.VMEM((B,), jnp.int32),
        pltpu.VMEM((ST, TILE_C), jnp.float32),
        pltpu.VMEM((ST, TILE_C), jnp.float32),
        pltpu.VMEM((ST, TILE_C), jnp.float32),
        pltpu.VMEM((ST, TILE_C), jnp.float32),
        pltpu.VMEM((B_PER_W,), jnp.int32),
        pltpu.VMEM((B_PER_W,), jnp.int32),
        pltpu.VMEM((B_PER_W,), jnp.int32),
        pltpu.VMEM((B_PER_W,), jnp.float32),
        pltpu.SemaphoreType.DMA,
        pltpu.SemaphoreType.DMA,
        pltpu.SemaphoreType.DMA,
    ],
)
def _fetch_kernel(indices_hbm, x4_hbm, lbls_hbm, gnorms_hbm, sample_hbm,
                  out_i, out_x4, out_y, out_g,
                  samp_v, row0_v, row1_v, o0_v, o1_v, chunk_v, i_v, y_v, g_v,
                  sem, sem_stage, sem_out):
    wid = lax.axis_index("s") * NUM_CORES + lax.axis_index("c")
    base = wid * B_PER_W
    r0 = wid * ROWS_PER_W
    ft0 = r0 // TILE_R
    sub0 = r0 % TILE_R
    pltpu.sync_copy(sample_hbm.at[pl.ds(base, B_PER_W)], chunk_v)
    c_i = pltpu.async_copy(indices_hbm.at[chunk_v], i_v, sem)
    c_y = pltpu.async_copy(lbls_hbm.at[chunk_v], y_v, sem)
    c_g = pltpu.async_copy(gnorms_hbm.at[chunk_v], g_v, sem)
    c_r0 = pltpu.async_copy(x4_hbm.at[ft0, :, sub0, :], row0_v, sem_stage)
    c_r1 = pltpu.async_copy(x4_hbm.at[ft0, :, sub0 + 1, :], row1_v, sem_stage)
    c_s = pltpu.async_copy(sample_hbm, samp_v, sem_stage)
    c_r0.wait()
    c_r1.wait()
    c_s.wait()

    @plsc.parallel_loop(0, ST, 1, unroll=8)
    def _gather_body(q):
        for j in range(TILE_C // LANES):
            idx = samp_v[pl.ds(q * TILE_C + j * LANES, LANES)]
            hi = lax.shift_right_logical(idx, 7)
            lo = lax.bitwise_and(idx, TILE_C - 1)
            o0_v[q, pl.ds(j * LANES, LANES)] = plsc.load_gather(row0_v, [hi, lo])
            o1_v[q, pl.ds(j * LANES, LANES)] = plsc.load_gather(row1_v, [hi, lo])

    c_o0 = pltpu.async_copy(o0_v, out_x4.at[ft0, :, sub0, :], sem_out)
    c_o1 = pltpu.async_copy(o1_v, out_x4.at[ft0, :, sub0 + 1, :], sem_out)
    c_i.wait()
    c_y.wait()
    c_g.wait()
    pltpu.sync_copy(i_v, out_i.at[pl.ds(base, B_PER_W)])
    pltpu.sync_copy(y_v, out_y.at[pl.ds(base, B_PER_W)])
    pltpu.sync_copy(g_v, out_g.at[pl.ds(base, B_PER_W)])
    c_o0.wait()
    c_o1.wait()


def kernel(mems_x, mems_y, mems_g, mems_i, indices, inputs, lbls, gnorms, sample_idx):
    del mems_x, mems_y, mems_g, mems_i
    x4 = inputs.T.reshape(FT, TILE_R, ST, TILE_C).transpose(0, 2, 1, 3)
    res_i, res_x4, res_y, res_g = _fetch_kernel(
        indices, x4, lbls, gnorms, sample_idx)
    res_x = res_x4.transpose(0, 2, 1, 3).reshape(XDIM, B).T
    return (res_i, res_x, res_y, res_g)

# --- scband reference (transcript-rebuilt; emitter-appended) ---
"""Pipeline reference for scband-gradient-memory-66039417143411 (READ-ONLY COPY).

The authoritative reference and input builder live on the scoring server;
editing this copy changes nothing except your own understanding.
"""

import jax, jax.numpy as jnp
import numpy as np

CAPACITY = 1000000
XDIM = 64
B = 16384
NUM_CLASSES = 100

def setup_inputs(seed: int = 0) -> dict:
    key = jax.random.key(seed)
    ks = jax.random.split(key, 9)
    return {
        "mems_x": jax.random.normal(ks[0], (CAPACITY, XDIM), dtype=jnp.float32),
        "mems_y": jax.random.randint(ks[1], (CAPACITY,), 0, NUM_CLASSES, dtype=jnp.int32),
        "mems_g": jax.random.uniform(ks[2], (CAPACITY,), dtype=jnp.float32),
        "mems_i": jax.random.randint(ks[3], (CAPACITY,), 0, CAPACITY, dtype=jnp.int32),
        "indices": jax.random.randint(ks[4], (B,), 0, CAPACITY, dtype=jnp.int32),
        "inputs": jax.random.normal(ks[5], (B, XDIM), dtype=jnp.float32),
        "lbls": jax.random.randint(ks[6], (B,), 0, NUM_CLASSES, dtype=jnp.int32),
        "gnorms": jax.random.uniform(ks[7], (B,), dtype=jnp.float32),
        "sample_idx": jax.random.randint(ks[8], (B,), 0, B, dtype=jnp.int32),
    }

def reference(mems_x, mems_y, mems_g, mems_i, indices, inputs, lbls, gnorms, sample_idx):
    # GradientMemory.add with ptr=0: write batch sequentially into slots [0, B)
    # (scatter-overwrite into the memory buffers).
    bsz = inputs.shape[0]
    slots = jnp.arange(bsz)
    mx = mems_x.at[slots].set(inputs)
    my = mems_y.at[slots].set(lbls)
    mg = mems_g.at[slots].set(gnorms)
    mi = mems_i.at[slots].set(indices)
    # GradientMemory.fetch: sample bsz random valid slots (length == ptr == bsz)
    # and gather (i, x, y, g) for each sampled slot.
    res_i = jnp.take(mi, sample_idx, axis=0)
    res_x = jnp.take(mx, sample_idx, axis=0)
    res_y = jnp.take(my, sample_idx, axis=0)
    res_g = jnp.take(mg, sample_idx, axis=0)
    return (res_i, res_x, res_y, res_g)

if __name__ == "__main__":
    import jax
    _d = setup_inputs()
    print(jax.jit(kernel)(*tuple(_d.values())))

</pallas_src>

<mosaic_0001>
#map = affine_map<(d0, d1) -> (0)>
#map1 = affine_map<(d0, d1) -> (0, 0, 0, 0)>
module attributes {stable_mosaic.version = 14 : i64} {
  func.func @_fetch_kernel(%arg0: i32, %arg1: i32, %arg2: memref<16384xi32, #tpu.memory_space<hbm>>, %arg3: memref<8x128x8x128xf32, #tpu.memory_space<hbm>>, %arg4: memref<16384xi32, #tpu.memory_space<hbm>>, %arg5: memref<16384xf32, #tpu.memory_space<hbm>>, %arg6: memref<16384xi32, #tpu.memory_space<hbm>>, %arg7: memref<16384xi32, #tpu.memory_space<hbm>>, %arg8: memref<8x128x8x128xf32, #tpu.memory_space<hbm>>, %arg9: memref<16384xi32, #tpu.memory_space<hbm>>, %arg10: memref<16384xf32, #tpu.memory_space<hbm>>, %arg11: memref<16384xi32, #tpu.memory_space<vmem>>, %arg12: memref<128x128xf32, #tpu.memory_space<vmem>>, %arg13: memref<128x128xf32, #tpu.memory_space<vmem>>, %arg14: memref<128x128xf32, #tpu.memory_space<vmem>>, %arg15: memref<128x128xf32, #tpu.memory_space<vmem>>, %arg16: memref<512xi32, #tpu.memory_space<vmem>>, %arg17: memref<512xi32, #tpu.memory_space<vmem>>, %arg18: memref<512xi32, #tpu.memory_space<vmem>>, %arg19: memref<512xf32, #tpu.memory_space<vmem>>, %arg20: memref<!tpu.dma_semaphore, #tpu.memory_space<semaphore_mem>>, %arg21: memref<!tpu.dma_semaphore, #tpu.memory_space<semaphore_mem>>, %arg22: memref<!tpu.dma_semaphore, #tpu.memory_space<semaphore_mem>>) attributes {dimension_semantics = [#tpu.dimension_semantics<core_parallel>, #tpu.dimension_semantics<subcore_parallel>], iteration_bounds = array<i64: 2, 16>, scalar_prefetch = 0 : i64, scratch_operands = 12 : i64, tpu.core_type = #tpu.core_type<sc_vector_subcore>, window_params = [{transform_indices = #map}, {transform_indices = #map1}, {transform_indices = #map}, {transform_indices = #map}, {transform_indices = #map}, {transform_indices = #map}, {transform_indices = #map1}, {transform_indices = #map}, {transform_indices = #map}]} {
    %mul3A = arith.constant 2 : i32
    %mul3A_0 = arith.muli %arg1, %mul3A : i32
    %add3A = arith.addi %mul3A_0, %arg0 : i32
    %mul3A_1 = arith.constant 512 : i32
    %mul3A_2 = arith.muli %add3A, %mul3A_1 : i32
    %mul3A_3 = arith.constant 2 : i32
    %mul3A_4 = arith.muli %add3A, %mul3A_3 : i32
    %jit3A = arith.constant 8 : i32
    %div3A = arith.divsi %mul3A_4, %jit3A : i32
    %sign3A = arith.constant 0 : i32
    %sign3A_5 = arith.cmpi sgt, %mul3A_4, %sign3A : i32
    %sign3A_6 = arith.extui %sign3A_5 : i1 to i32
    %sign3A_7 = arith.constant 0 : i32
    %sign3A_8 = arith.cmpi slt, %mul3A_4, %sign3A_7 : i32
    %sign3A_9 = arith.extui %sign3A_8 : i1 to i32
    %sign3A_10 = arith.subi %sign3A_6, %sign3A_9 : i32
    %sign3A_11 = arith.constant 0 : i32
    %sign3A_12 = arith.cmpi sgt, %jit3A, %sign3A_11 : i32
    %sign3A_13 = arith.extui %sign3A_12 : i1 to i32
    %sign3A_14 = arith.constant 0 : i32
    %sign3A_15 = arith.cmpi slt, %jit3A, %sign3A_14 : i32
    %sign3A_16 = arith.extui %sign3A_15 : i1 to i32
    %sign3A_17 = arith.subi %sign3A_13, %sign3A_16 : i32
    %ne3A = arith.cmpi ne, %sign3A_10, %sign3A_17 : i32
    %rem3A = arith.remsi %mul3A_4, %jit3A : i32
    %ne3A_18 = arith.constant 0 : i32
    %ne3A_19 = arith.cmpi ne, %rem3A, %ne3A_18 : i32
    %and3A = arith.andi %ne3A, %ne3A_19 : i1
    %sub3A = arith.constant 1 : i32
    %sub3A_20 = arith.subi %div3A, %sub3A : i32
    %select_n3A = arith.select %and3A, %sub3A_20, %div3A : i32
    %jit3A_21 = arith.constant 8 : i32
    %eq3A = arith.constant 0 : i32
    %eq3A_22 = arith.cmpi eq, %jit3A_21, %eq3A : i32
    %jit3A_23 = arith.constant 1 : i32
    %select_n3A_24 = arith.select %eq3A_22, %jit3A_23, %jit3A_21 : i32
    %rem3A_25 = arith.remsi %mul3A_4, %select_n3A_24 : i32
    %ne3A_26 = arith.constant 0 : i32
    %ne3A_27 = arith.cmpi ne, %rem3A_25, %ne3A_26 : i32
    %lt3A = arith.constant 0 : i32
    %lt3A_28 = arith.cmpi slt, %rem3A_25, %lt3A : i32
    %lt3A_29 = arith.constant 0 : i32
    %lt3A_30 = arith.cmpi slt, %select_n3A_24, %lt3A_29 : i32
    %ne3A_31 = arith.xori %lt3A_28, %lt3A_30 : i1
    %and3A_32 = arith.andi %ne3A_31, %ne3A_27 : i1
    %add3A_33 = arith.addi %rem3A_25, %select_n3A_24 : i32
    %select_n3A_34 = arith.select %and3A_32, %add3A_33, %rem3A_25 : i32
    "tpu.region"() ({
      %run_scoped3A = tpu.sem_alloc : memref<!tpu.dma_semaphore, #tpu.memory_space<semaphore_mem>>
      %dma_start3A_115 = tpu.memref_slice %arg6[%mul3A_2] : memref<16384xi32, #tpu.memory_space<hbm>> -> memref<512xi32, #tpu.memory_space<hbm>>
      %dma_start3A_116 = tpu.memref_slice %arg6[%mul3A_2] : memref<16384xi32, #tpu.memory_space<hbm>> -> memref<512xi32, #tpu.memory_space<hbm>>
      tpu.enqueue_dma source(%dma_start3A_116 : memref<512xi32, #tpu.memory_space<hbm>>) target(%arg16 : memref<512xi32, #tpu.memory_space<vmem>>) target_semaphore(%run_scoped3A : memref<!tpu.dma_semaphore, #tpu.memory_space<semaphore_mem>>)
      %dma_wait3A_117 = tpu.memref_slice %arg6[%mul3A_2] : memref<16384xi32, #tpu.memory_space<hbm>> -> memref<512xi32, #tpu.memory_space<hbm>>
      %dma_wait3A_118 = tpu.memref_slice %arg6[%mul3A_2] : memref<16384xi32, #tpu.memory_space<hbm>> -> memref<512xi32, #tpu.memory_space<hbm>>
      tpu.wait_dma2 semaphore(%run_scoped3A : memref<!tpu.dma_semaphore, #tpu.memory_space<semaphore_mem>>) src(%dma_wait3A_118 : memref<512xi32, #tpu.memory_space<hbm>>) dst(%arg16 : memref<512xi32, #tpu.memory_space<vmem>>)
      tpu.yield
    }) : () -> ()
    %dma_start3A = arith.constant 0 : i32
    %dma_start3A_35 = tpu.memref_slice %arg2[%dma_start3A] : memref<16384xi32, #tpu.memory_space<hbm>> -> memref<16384xi32, #tpu.memory_space<hbm>>
    tpu.enqueue_indirect_dma source(%dma_start3A_35 : memref<16384xi32, #tpu.memory_space<hbm>>) target(%arg17 : memref<512xi32, #tpu.memory_space<vmem>>) offsets(%arg16 : memref<512xi32, #tpu.memory_space<vmem>>) semaphore(%arg20 : memref<!tpu.dma_semaphore, #tpu.memory_space<semaphore_mem>>)
    %dma_start3A_36 = arith.constant 0 : i32
    %dma_start3A_37 = tpu.memref_slice %arg4[%dma_start3A_36] : memref<16384xi32, #tpu.memory_space<hbm>> -> memref<16384xi32, #tpu.memory_space<hbm>>
    tpu.enqueue_indirect_dma source(%dma_start3A_37 : memref<16384xi32, #tpu.memory_space<hbm>>) target(%arg18 : memref<512xi32, #tpu.memory_space<vmem>>) offsets(%arg16 : memref<512xi32, #tpu.memory_space<vmem>>) semaphore(%arg20 : memref<!tpu.dma_semaphore, #tpu.memory_space<semaphore_mem>>)
    %dma_start3A_38 = arith.constant 0 : i32
    %dma_start3A_39 = tpu.memref_slice %arg5[%dma_start3A_38] : memref<16384xf32, #tpu.memory_space<hbm>> -> memref<16384xf32, #tpu.memory_space<hbm>>
    tpu.enqueue_indirect_dma source(%dma_start3A_39 : memref<16384xf32, #tpu.memory_space<hbm>>) target(%arg19 : memref<512xf32, #tpu.memory_space<vmem>>) offsets(%arg16 : memref<512xi32, #tpu.memory_space<vmem>>) semaphore(%arg20 : memref<!tpu.dma_semaphore, #tpu.memory_space<semaphore_mem>>)
    %dma_start3A_40 = arith.constant 0 : i32
    %dma_start3A_41 = arith.constant 0 : i32
    %dma_start3A_42 = tpu.memref_slice %arg3[%select_n3A, %dma_start3A_40, %select_n3A_34, %dma_start3A_41] : memref<8x128x8x128xf32, #tpu.memory_space<hbm>> -> memref<1x128x1x128xf32, #tpu.memory_space<hbm>>
    %dma_start3A_43 = tpu.memref_squeeze %dma_start3A_42 : memref<1x128x1x128xf32, #tpu.memory_space<hbm>> -> memref<128x128xf32, #tpu.memory_space<hbm>>
    %dma_start3A_44 = arith.constant 0 : i32
    %dma_start3A_45 = arith.constant 0 : i32
    %dma_start3A_46 = tpu.memref_slice %arg3[%select_n3A, %dma_start3A_44, %select_n3A_34, %dma_start3A_45] : memref<8x128x8x128xf32, #tpu.memory_space<hbm>> -> memref<1x128x1x128xf32, #tpu.memory_space<hbm>>
    %dma_start3A_47 = tpu.memref_squeeze %dma_start3A_46 : memref<1x128x1x128xf32, #tpu.memory_space<hbm>> -> memref<128x128xf32, #tpu.memory_space<hbm>>
    tpu.enqueue_dma source(%dma_start3A_47 : memref<128x128xf32, #tpu.memory_space<hbm>>) target(%arg12 : memref<128x128xf32, #tpu.memory_space<vmem>>) target_semaphore(%arg21 : memref<!tpu.dma_semaphore, #tpu.memory_space<semaphore_mem>>)
    %add3A_48 = arith.constant 1 : i32
    %add3A_49 = arith.addi %select_n3A_34, %add3A_48 : i32
    %dma_start3A_50 = arith.constant 0 : i32
    %dma_start3A_51 = arith.constant 0 : i32
    %dma_start3A_52 = tpu.memref_slice %arg3[%select_n3A, %dma_start3A_50, %add3A_49, %dma_start3A_51] : memref<8x128x8x128xf32, #tpu.memory_space<hbm>> -> memref<1x128x1x128xf32, #tpu.memory_space<hbm>>
    %dma_start3A_53 = tpu.memref_squeeze %dma_start3A_52 : memref<1x128x1x128xf32, #tpu.memory_space<hbm>> -> memref<128x128xf32, #tpu.memory_space<hbm>>
    %dma_start3A_54 = arith.constant 0 : i32
    %dma_start3A_55 = arith.constant 0 : i32
    %dma_start3A_56 = tpu.memref_slice %arg3[%select_n3A, %dma_start3A_54, %add3A_49, %dma_start3A_55] : memref<8x128x8x128xf32, #tpu.memory_space<hbm>> -> memref<1x128x1x128xf32, #tpu.memory_space<hbm>>
    %dma_start3A_57 = tpu.memref_squeeze %dma_start3A_56 : memref<1x128x1x128xf32, #tpu.memory_space<hbm>> -> memref<128x128xf32, #tpu.memory_space<hbm>>
    tpu.enqueue_dma source(%dma_start3A_57 : memref<128x128xf32, #tpu.memory_space<hbm>>) target(%arg13 : memref<128x128xf32, #tpu.memory_space<vmem>>) target_semaphore(%arg21 : memref<!tpu.dma_semaphore, #tpu.memory_space<semaphore_mem>>)
    tpu.enqueue_dma source(%arg6 : memref<16384xi32, #tpu.memory_space<hbm>>) target(%arg11 : memref<16384xi32, #tpu.memory_space<vmem>>) target_semaphore(%arg21 : memref<!tpu.dma_semaphore, #tpu.memory_space<semaphore_mem>>)
    %dma_wait3A = arith.constant 0 : i32
    %dma_wait3A_58 = arith.constant 0 : i32
    %dma_wait3A_59 = tpu.memref_slice %arg3[%select_n3A, %dma_wait3A, %select_n3A_34, %dma_wait3A_58] : memref<8x128x8x128xf32, #tpu.memory_space<hbm>> -> memref<1x128x1x128xf32, #tpu.memory_space<hbm>>
    %dma_wait3A_60 = tpu.memref_squeeze %dma_wait3A_59 : memref<1x128x1x128xf32, #tpu.memory_space<hbm>> -> memref<128x128xf32, #tpu.memory_space<hbm>>
    %dma_wait3A_61 = arith.constant 0 : i32
    %dma_wait3A_62 = arith.constant 0 : i32
    %dma_wait3A_63 = tpu.memref_slice %arg3[%select_n3A, %dma_wait3A_61, %select_n3A_34, %dma_wait3A_62] : memref<8x128x8x128xf32, #tpu.memory_space<hbm>> -> memref<1x128x1x128xf32, #tpu.memory_space<hbm>>
    %dma_wait3A_64 = tpu.memref_squeeze %dma_wait3A_63 : memref<1x128x1x128xf32, #tpu.memory_space<hbm>> -> memref<128x128xf32, #tpu.memory_space<hbm>>
    tpu.wait_dma2 semaphore(%arg21 : memref<!tpu.dma_semaphore, #tpu.memory_space<semaphore_mem>>) src(%dma_wait3A_64 : memref<128x128xf32, #tpu.memory_space<hbm>>) dst(%arg12 : memref<128x128xf32, #tpu.memory_space<vmem>>)
    %dma_wait3A_65 = arith.constant 0 : i32
    %dma_wait3A_66 = arith.constant 0 : i32
    %dma_wait3A_67 = tpu.memref_slice %arg3[%select_n3A, %dma_wait3A_65, %add3A_49, %dma_wait3A_66] : memref<8x128x8x128xf32, #tpu.memory_space<hbm>> -> memref<1x128x1x128xf32, #tpu.memory_space<hbm>>
    %dma_wait3A_68 = tpu.memref_squeeze %dma_wait3A_67 : memref<1x128x1x128xf32, #tpu.memory_space<hbm>> -> memref<128x128xf32, #tpu.memory_space<hbm>>
    %dma_wait3A_69 = arith.constant 0 : i32
    %dma_wait3A_70 = arith.constant 0 : i32
    %dma_wait3A_71 = tpu.memref_slice %arg3[%select_n3A, %dma_wait3A_69, %add3A_49, %dma_wait3A_70] : memref<8x128x8x128xf32, #tpu.memory_space<hbm>> -> memref<1x128x1x128xf32, #tpu.memory_space<hbm>>
    %dma_wait3A_72 = tpu.memref_squeeze %dma_wait3A_71 : memref<1x128x1x128xf32, #tpu.memory_space<hbm>> -> memref<128x128xf32, #tpu.memory_space<hbm>>
    tpu.wait_dma2 semaphore(%arg21 : memref<!tpu.dma_semaphore, #tpu.memory_space<semaphore_mem>>) src(%dma_wait3A_72 : memref<128x128xf32, #tpu.memory_space<hbm>>) dst(%arg13 : memref<128x128xf32, #tpu.memory_space<vmem>>)
    tpu.wait_dma2 semaphore(%arg21 : memref<!tpu.dma_semaphore, #tpu.memory_space<semaphore_mem>>) src(%arg6 : memref<16384xi32, #tpu.memory_space<hbm>>) dst(%arg11 : memref<16384xi32, #tpu.memory_space<vmem>>)
    %parallel_loop3A = arith.constant 0 : i32
    %parallel_loop3A_73 = arith.constant 128 : i32
    %parallel_loop3A_74 = arith.constant 1 : i32
    scf.for %parallel_loop3A_115 = %parallel_loop3A to %parallel_loop3A_73 step %parallel_loop3A_74  : i32 {
      %parallel_loop3A_116 = arith.constant 128 : i32
      %parallel_loop3A_117 = arith.muli %parallel_loop3A_115, %parallel_loop3A_116 : i32
      %parallel_loop3A_118 = arith.constant 0 : i32
      %parallel_loop3A_119 = arith.addi %parallel_loop3A_117, %parallel_loop3A_118 : i32
      %parallel_loop3A_120 = arith.index_cast %parallel_loop3A_119 : i32 to index
      %parallel_loop3A_121 = tpu.vector_load %arg11[%parallel_loop3A_120] {strides = array<i32>} : memref<16384xi32, #tpu.memory_space<vmem>>, vector<16xi32>,
      %parallel_loop3A_122 = arith.constant 7 : i32
      %parallel_loop3A_123 = vector.broadcast %parallel_loop3A_122 : i32 to vector<16xi32>
      %parallel_loop3A_124 = arith.shrui %parallel_loop3A_121, %parallel_loop3A_123 : vector<16xi32>
      %parallel_loop3A_125 = arith.constant 127 : i32
      %parallel_loop3A_126 = vector.broadcast %parallel_loop3A_125 : i32 to vector<16xi32>
      %parallel_loop3A_127 = arith.andi %parallel_loop3A_121, %parallel_loop3A_126 : vector<16xi32>
      %parallel_loop3A_128 = tpu.vector_load_idx %arg12[%parallel_loop3A_124, %parallel_loop3A_127] : memref<128x128xf32, #tpu.memory_space<vmem>>[vector<16xi32>, vector<16xi32>], vector<16xf32>,
      %parallel_loop3A_129 = arith.index_cast %parallel_loop3A_115 : i32 to index
      %parallel_loop3A_130 = arith.constant 0 : index
      %parallel_loop3A_131 = tpu.vector_load %arg14[%parallel_loop3A_129, %parallel_loop3A_130] {strides = array<i32>} : memref<128x128xf32, #tpu.memory_space<vmem>>, vector<16xf32>,
      tpu.vector_store %arg14[%parallel_loop3A_129, %parallel_loop3A_130], %parallel_loop3A_128 {strides = array<i32>} : memref<128x128xf32, #tpu.memory_space<vmem>>, vector<16xf32>,
      %parallel_loop3A_132 = tpu.vector_load_idx %arg13[%parallel_loop3A_124, %parallel_loop3A_127] : memref<128x128xf32, #tpu.memory_space<vmem>>[vector<16xi32>, vector<16xi32>], vector<16xf32>,
      %parallel_loop3A_133 = arith.index_cast %parallel_loop3A_115 : i32 to index
      %parallel_loop3A_134 = arith.constant 0 : index
      %parallel_loop3A_135 = tpu.vector_load %arg15[%parallel_loop3A_133, %parallel_loop3A_134] {strides = array<i32>} : memref<128x128xf32, #tpu.memory_space<vmem>>, vector<16xf32>,
      tpu.vector_store %arg15[%parallel_loop3A_133, %parallel_loop3A_134], %parallel_loop3A_132 {strides = array<i32>} : memref<128x128xf32, #tpu.memory_space<vmem>>, vector<16xf32>,
      %parallel_loop3A_136 = arith.constant 128 : i32
      %parallel_loop3A_137 = arith.muli %parallel_loop3A_115, %parallel_loop3A_136 : i32
      %parallel_loop3A_138 = arith.constant 16 : i32
      %parallel_loop3A_139 = arith.addi %parallel_loop3A_137, %parallel_loop3A_138 : i32
      %parallel_loop3A_140 = arith.index_cast %parallel_loop3A_139 : i32 to index
      %parallel_loop3A_141 = tpu.vector_load %arg11[%parallel_loop3A_140] {strides = array<i32>} : memref<16384xi32, #tpu.memory_space<vmem>>, vector<16xi32>,
      %parallel_loop3A_142 = arith.constant 7 : i32
      %parallel_loop3A_143 = vector.broadcast %parallel_loop3A_142 : i32 to vector<16xi32>
      %parallel_loop3A_144 = arith.shrui %parallel_loop3A_141, %parallel_loop3A_143 : vector<16xi32>
      %parallel_loop3A_145 = arith.constant 127 : i32
      %parallel_loop3A_146 = vector.broadcast %parallel_loop3A_145 : i32 to vector<16xi32>
      %parallel_loop3A_147 = arith.andi %parallel_loop3A_141, %parallel_loop3A_146 : vector<16xi32>
      %parallel_loop3A_148 = tpu.vector_load_idx %arg12[%parallel_loop3A_144, %parallel_loop3A_147] : memref<128x128xf32, #tpu.memory_space<vmem>>[vector<16xi32>, vector<16xi32>], vector<16xf32>,
      %parallel_loop3A_149 = arith.index_cast %parallel_loop3A_115 : i32 to index
      %parallel_loop3A_150 = arith.constant 16 : index
      %parallel_loop3A_151 = tpu.vector_load %arg14[%parallel_loop3A_149, %parallel_loop3A_150] {strides = array<i32>} : memref<128x128xf32, #tpu.memory_space<vmem>>, vector<16xf32>,
      tpu.vector_store %arg14[%parallel_loop3A_149, %parallel_loop3A_150], %parallel_loop3A_148 {strides = array<i32>} : memref<128x128xf32, #tpu.memory_space<vmem>>, vector<16xf32>,
      %parallel_loop3A_152 = tpu.vector_load_idx %arg13[%parallel_loop3A_144, %parallel_loop3A_147] : memref<128x128xf32, #tpu.memory_space<vmem>>[vector<16xi32>, vector<16xi32>], vector<16xf32>,
      %parallel_loop3A_153 = arith.index_cast %parallel_loop3A_115 : i32 to index
      %parallel_loop3A_154 = arith.constant 16 : index
      %parallel_loop3A_155 = tpu.vector_load %arg15[%parallel_loop3A_153, %parallel_loop3A_154] {strides = array<i32>} : memref<128x128xf32, #tpu.memory_space<vmem>>, vector<16xf32>,
      tpu.vector_store %arg15[%parallel_loop3A_153, %parallel_loop3A_154], %parallel_loop3A_152 {strides = array<i32>} : memref<128x128xf32, #tpu.memory_space<vmem>>, vector<16xf32>,
      %parallel_loop3A_156 = arith.constant 128 : i32
      %parallel_loop3A_157 = arith.muli %parallel_loop3A_115, %parallel_loop3A_156 : i32
      %parallel_loop3A_158 = arith.constant 32 : i32
      %parallel_loop3A_159 = arith.addi %parallel_loop3A_157, %parallel_loop3A_158 : i32
      %parallel_loop3A_160 = arith.index_cast %parallel_loop3A_159 : i32 to index
      %parallel_loop3A_161 = tpu.vector_load %arg11[%parallel_loop3A_160] {strides = array<i32>} : memref<16384xi32, #tpu.memory_space<vmem>>, vector<16xi32>,
      %parallel_loop3A_162 = arith.constant 7 : i32
      %parallel_loop3A_163 = vector.broadcast %parallel_loop3A_162 : i32 to vector<16xi32>
      %parallel_loop3A_164 = arith.shrui %parallel_loop3A_161, %parallel_loop3A_163 : vector<16xi32>
      %parallel_loop3A_165 = arith.constant 127 : i32
      %parallel_loop3A_166 = vector.broadcast %parallel_loop3A_165 : i32 to vector<16xi32>
      %parallel_loop3A_167 = arith.andi %parallel_loop3A_161, %parallel_loop3A_166 : vector<16xi32>
      %parallel_loop3A_168 = tpu.vector_load_idx %arg12[%parallel_loop3A_164, %parallel_loop3A_167] : memref<128x128xf32, #tpu.memory_space<vmem>>[vector<16xi32>, vector<16xi32>], vector<16xf32>,
      %parallel_loop3A_169 = arith.index_cast %parallel_loop3A_115 : i32 to index
      %parallel_loop3A_170 = arith.constant 32 : index
      %parallel_loop3A_171 = tpu.vector_load %arg14[%parallel_loop3A_169, %parallel_loop3A_170] {strides = array<i32>} : memref<128x128xf32, #tpu.memory_space<vmem>>, vector<16xf32>,
      tpu.vector_store %arg14[%parallel_loop3A_169, %parallel_loop3A_170], %parallel_loop3A_168 {strides = array<i32>} : memref<128x128xf32, #tpu.memory_space<vmem>>, vector<16xf32>,
      %parallel_loop3A_172 = tpu.vector_load_idx %arg13[%parallel_loop3A_164, %parallel_loop3A_167] : memref<128x128xf32, #tpu.memory_space<vmem>>[vector<16xi32>, vector<16xi32>], vector<16xf32>,
      %parallel_loop3A_173 = arith.index_cast %parallel_loop3A_115 : i32 to index
      %parallel_loop3A_174 = arith.constant 32 : index
      %parallel_loop3A_175 = tpu.vector_load %arg15[%parallel_loop3A_173, %parallel_loop3A_174] {strides = array<i32>} : memref<128x128xf32, #tpu.memory_space<vmem>>, vector<16xf32>,
      tpu.vector_store %arg15[%parallel_loop3A_173, %parallel_loop3A_174], %parallel_loop3A_172 {strides = array<i32>} : memref<128x128xf32, #tpu.memory_space<vmem>>, vector<16xf32>,
      %parallel_loop3A_176 = arith.constant 128 : i32
      %parallel_loop3A_177 = arith.muli %parallel_loop3A_115, %parallel_loop3A_176 : i32
      %parallel_loop3A_178 = arith.constant 48 : i32
      %parallel_loop3A_179 = arith.addi %parallel_loop3A_177, %parallel_loop3A_178 : i32
      %parallel_loop3A_180 = arith.index_cast %parallel_loop3A_179 : i32 to index
      %parallel_loop3A_181 = tpu.vector_load %arg11[%parallel_loop3A_180] {strides = array<i32>} : memref<16384xi32, #tpu.memory_space<vmem>>, vector<16xi32>,
      %parallel_loop3A_182 = arith.constant 7 : i32
      %parallel_loop3A_183 = vector.broadcast %parallel_loop3A_182 : i32 to vector<16xi32>
      %parallel_loop3A_184 = arith.shrui %parallel_loop3A_181, %parallel_loop3A_183 : vector<16xi32>
      %parallel_loop3A_185 = arith.constant 127 : i32
      %parallel_loop3A_186 = vector.broadcast %parallel_loop3A_185 : i32 to vector<16xi32>
      %parallel_loop3A_187 = arith.andi %parallel_loop3A_181, %parallel_loop3A_186 : vector<16xi32>
      %parallel_loop3A_188 = tpu.vector_load_idx %arg12[%parallel_loop3A_184, %parallel_loop3A_187] : memref<128x128xf32, #tpu.memory_space<vmem>>[vector<16xi32>, vector<16xi32>], vector<16xf32>,
      %parallel_loop3A_189 = arith.index_cast %parallel_loop3A_115 : i32 to index
      %parallel_loop3A_190 = arith.constant 48 : index
      %parallel_loop3A_191 = tpu.vector_load %arg14[%parallel_loop3A_189, %parallel_loop3A_190] {strides = array<i32>} : memref<128x128xf32, #tpu.memory_space<vmem>>, vector<16xf32>,
      tpu.vector_store %arg14[%parallel_loop3A_189, %parallel_loop3A_190], %parallel_loop3A_188 {strides = array<i32>} : memref<128x128xf32, #tpu.memory_space<vmem>>, vector<16xf32>,
      %parallel_loop3A_192 = tpu.vector_load_idx %arg13[%parallel_loop3A_184, %parallel_loop3A_187] : memref<128x128xf32, #tpu.memory_space<vmem>>[vector<16xi32>, vector<16xi32>], vector<16xf32>,
      %parallel_loop3A_193 = arith.index_cast %parallel_loop3A_115 : i32 to index
      %parallel_loop3A_194 = arith.constant 48 : index
      %parallel_loop3A_195 = tpu.vector_load %arg15[%parallel_loop3A_193, %parallel_loop3A_194] {strides = array<i32>} : memref<128x128xf32, #tpu.memory_space<vmem>>, vector<16xf32>,
      tpu.vector_store %arg15[%parallel_loop3A_193, %parallel_loop3A_194], %parallel_loop3A_192 {strides = array<i32>} : memref<128x128xf32, #tpu.memory_space<vmem>>, vector<16xf32>,
      %parallel_loop3A_196 = arith.constant 128 : i32
      %parallel_loop3A_197 = arith.muli %parallel_loop3A_115, %parallel_loop3A_196 : i32
      %parallel_loop3A_198 = arith.constant 64 : i32
      %parallel_loop3A_199 = arith.addi %parallel_loop3A_197, %parallel_loop3A_198 : i32
      %parallel_loop3A_200 = arith.index_cast %parallel_loop3A_199 : i32 to index
      %parallel_loop3A_201 = tpu.vector_load %arg11[%parallel_loop3A_200] {strides = array<i32>} : memref<16384xi32, #tpu.memory_space<vmem>>, vector<16xi32>,
      %parallel_loop3A_202 = arith.constant 7 : i32
      %parallel_loop3A_203 = vector.broadcast %parallel_loop3A_202 : i32 to vector<16xi32>
      %parallel_loop3A_204 = arith.shrui %parallel_loop3A_201, %parallel_loop3A_203 : vector<16xi32>
      %parallel_loop3A_205 = arith.constant 127 : i32
      %parallel_loop3A_206 = vector.broadcast %parallel_loop3A_205 : i32 to vector<16xi32>
      %parallel_loop3A_207 = arith.andi %parallel_loop3A_201, %parallel_loop3A_206 : vector<16xi32>
      %parallel_loop3A_208 = tpu.vector_load_idx %arg12[%parallel_loop3A_204, %parallel_loop3A_207] : memref<128x128xf32, #tpu.memory_space<vmem>>[vector<16xi32>, vector<16xi32>], vector<16xf32>,
      %parallel_loop3A_209 = arith.index_cast %parallel_loop3A_115 : i32 to index
      %parallel_loop3A_210 = arith.constant 64 : index
      %parallel_loop3A_211 = tpu.vector_load %arg14[%parallel_loop3A_209, %parallel_loop3A_210] {strides = array<i32>} : memref<128x128xf32, #tpu.memory_space<vmem>>, vector<16xf32>,
      tpu.vector_store %arg14[%parallel_loop3A_209, %parallel_loop3A_210], %parallel_loop3A_208 {strides = array<i32>} : memref<128x128xf32, #tpu.memory_space<vmem>>, vector<16xf32>,
      %parallel_loop3A_212 = tpu.vector_load_idx %arg13[%parallel_loop3A_204, %parallel_loop3A_207] : memref<128x128xf32, #tpu.memory_space<vmem>>[vector<16xi32>, vector<16xi32>], vector<16xf32>,
      %parallel_loop3A_213 = arith.index_cast %parallel_loop3A_115 : i32 to index
      %parallel_loop3A_214 = arith.constant 64 : index
      %parallel_loop3A_215 = tpu.vector_load %arg15[%parallel_loop3A_213, %parallel_loop3A_214] {strides = array<i32>} : memref<128x128xf32, #tpu.memory_space<vmem>>, vector<16xf32>,
      tpu.vector_store %arg15[%parallel_loop3A_213, %parallel_loop3A_214], %parallel_loop3A_212 {strides = array<i32>} : memref<128x128xf32, #tpu.memory_space<vmem>>, vector<16xf32>,
      %parallel_loop3A_216 = arith.constant 128 : i32
      %parallel_loop3A_217 = arith.muli %parallel_loop3A_115, %parallel_loop3A_216 : i32
      %parallel_loop3A_218 = arith.constant 80 : i32
      %parallel_loop3A_219 = arith.addi %parallel_loop3A_217, %parallel_loop3A_218 : i32
      %parallel_loop3A_220 = arith.index_cast %parallel_loop3A_219 : i32 to index
      %parallel_loop3A_221 = tpu.vector_load %arg11[%parallel_loop3A_220] {strides = array<i32>} : memref<16384xi32, #tpu.memory_space<vmem>>, vector<16xi32>,
      %parallel_loop3A_222 = arith.constant 7 : i32
      %parallel_loop3A_223 = vector.broadcast %parallel_loop3A_222 : i32 to vector<16xi32>
      %parallel_loop3A_224 = arith.shrui %parallel_loop3A_221, %parallel_loop3A_223 : vector<16xi32>
      %parallel_loop3A_225 = arith.constant 127 : i32
      %parallel_loop3A_226 = vector.broadcast %parallel_loop3A_225 : i32 to vector<16xi32>
      %parallel_loop3A_227 = arith.andi %parallel_loop3A_221, %parallel_loop3A_226 : vector<16xi32>
      %parallel_loop3A_228 = tpu.vector_load_idx %arg12[%parallel_loop3A_224, %parallel_loop3A_227] : memref<128x128xf32, #tpu.memory_space<vmem>>[vector<16xi32>, vector<16xi32>], vector<16xf32>,
      %parallel_loop3A_229 = arith.index_cast %parallel_loop3A_115 : i32 to index
      %parallel_loop3A_230 = arith.constant 80 : index
      %parallel_loop3A_231 = tpu.vector_load %arg14[%parallel_loop3A_229, %parallel_loop3A_230] {strides = array<i32>} : memref<128x128xf32, #tpu.memory_space<vmem>>, vector<16xf32>,
      tpu.vector_store %arg14[%parallel_loop3A_229, %parallel_loop3A_230], %parallel_loop3A_228 {strides = array<i32>} : memref<128x128xf32, #tpu.memory_space<vmem>>, vector<16xf32>,
      %parallel_loop3A_232 = tpu.vector_load_idx %arg13[%parallel_loop3A_224, %parallel_loop3A_227] : memref<128x128xf32, #tpu.memory_space<vmem>>[vector<16xi32>, vector<16xi32>], vector<16xf32>,
      %parallel_loop3A_233 = arith.index_cast %parallel_loop3A_115 : i32 to index
      %parallel_loop3A_234 = arith.constant 80 : index
      %parallel_loop3A_235 = tpu.vector_load %arg15[%parallel_loop3A_233, %parallel_loop3A_234] {strides = array<i32>} : memref<128x128xf32, #tpu.memory_space<vmem>>, vector<16xf32>,
      tpu.vector_store %arg15[%parallel_loop3A_233, %parallel_loop3A_234], %parallel_loop3A_232 {strides = array<i32>} : memref<128x128xf32, #tpu.memory_space<vmem>>, vector<16xf32>,
      %parallel_loop3A_236 = arith.constant 128 : i32
      %parallel_loop3A_237 = arith.muli %parallel_loop3A_115, %parallel_loop3A_236 : i32
      %parallel_loop3A_238 = arith.constant 96 : i32
      %parallel_loop3A_239 = arith.addi %parallel_loop3A_237, %parallel_loop3A_238 : i32
      %parallel_loop3A_240 = arith.index_cast %parallel_loop3A_239 : i32 to index
      %parallel_loop3A_241 = tpu.vector_load %arg11[%parallel_loop3A_240] {strides = array<i32>} : memref<16384xi32, #tpu.memory_space<vmem>>, vector<16xi32>,
      %parallel_loop3A_242 = arith.constant 7 : i32
      %parallel_loop3A_243 = vector.broadcast %parallel_loop3A_242 : i32 to vector<16xi32>
      %parallel_loop3A_244 = arith.shrui %parallel_loop3A_241, %parallel_loop3A_243 : vector<16xi32>
      %parallel_loop3A_245 = arith.constant 127 : i32
      %parallel_loop3A_246 = vector.broadcast %parallel_loop3A_245 : i32 to vector<16xi32>
      %parallel_loop3A_247 = arith.andi %parallel_loop3A_241, %parallel_loop3A_246 : vector<16xi32>
      %parallel_loop3A_248 = tpu.vector_load_idx %arg12[%parallel_loop3A_244, %parallel_loop3A_247] : memref<128x128xf32, #tpu.memory_space<vmem>>[vector<16xi32>, vector<16xi32>], vector<16xf32>,
      %parallel_loop3A_249 = arith.index_cast %parallel_loop3A_115 : i32 to index
      %parallel_loop3A_250 = arith.constant 96 : index
      %parallel_loop3A_251 = tpu.vector_load %arg14[%parallel_loop3A_249, %parallel_loop3A_250] {strides = array<i32>} : memref<128x128xf32, #tpu.memory_space<vmem>>, vector<16xf32>,
      tpu.vector_store %arg14[%parallel_loop3A_249, %parallel_loop3A_250], %parallel_loop3A_248 {strides = array<i32>} : memref<128x128xf32, #tpu.memory_space<vmem>>, vector<16xf32>,
      %parallel_loop3A_252 = tpu.vector_load_idx %arg13[%parallel_loop3A_244, %parallel_loop3A_247] : memref<128x128xf32, #tpu.memory_space<vmem>>[vector<16xi32>, vector<16xi32>], vector<16xf32>,
      %parallel_loop3A_253 = arith.index_cast %parallel_loop3A_115 : i32 to index
      %parallel_loop3A_254 = arith.constant 96 : index
      %parallel_loop3A_255 = tpu.vector_load %arg15[%parallel_loop3A_253, %parallel_loop3A_254] {strides = array<i32>} : memref<128x128xf32, #tpu.memory_space<vmem>>, vector<16xf32>,
      tpu.vector_store %arg15[%parallel_loop3A_253, %parallel_loop3A_254], %parallel_loop3A_252 {strides = array<i32>} : memref<128x128xf32, #tpu.memory_space<vmem>>, vector<16xf32>,
      %parallel_loop3A_256 = arith.constant 128 : i32
      %parallel_loop3A_257 = arith.muli %parallel_loop3A_115, %parallel_loop3A_256 : i32
      %parallel_loop3A_258 = arith.constant 112 : i32
      %parallel_loop3A_259 = arith.addi %parallel_loop3A_257, %parallel_loop3A_258 : i32
      %parallel_loop3A_260 = arith.index_cast %parallel_loop3A_259 : i32 to index
      %parallel_loop3A_261 = tpu.vector_load %arg11[%parallel_loop3A_260] {strides = array<i32>} : memref<16384xi32, #tpu.memory_space<vmem>>, vector<16xi32>,
      %parallel_loop3A_262 = arith.constant 7 : i32
      %parallel_loop3A_263 = vector.broadcast %parallel_loop3A_262 : i32 to vector<16xi32>
      %parallel_loop3A_264 = arith.shrui %parallel_loop3A_261, %parallel_loop3A_263 : vector<16xi32>
      %parallel_loop3A_265 = arith.constant 127 : i32
      %parallel_loop3A_266 = vector.broadcast %parallel_loop3A_265 : i32 to vector<16xi32>
      %parallel_loop3A_267 = arith.andi %parallel_loop3A_261, %parallel_loop3A_266 : vector<16xi32>
      %parallel_loop3A_268 = tpu.vector_load_idx %arg12[%parallel_loop3A_264, %parallel_loop3A_267] : memref<128x128xf32, #tpu.memory_space<vmem>>[vector<16xi32>, vector<16xi32>], vector<16xf32>,
      %parallel_loop3A_269 = arith.index_cast %parallel_loop3A_115 : i32 to index
      %parallel_loop3A_270 = arith.constant 112 : index
      %parallel_loop3A_271 = tpu.vector_load %arg14[%parallel_loop3A_269, %parallel_loop3A_270] {strides = array<i32>} : memref<128x128xf32, #tpu.memory_space<vmem>>, vector<16xf32>,
      tpu.vector_store %arg14[%parallel_loop3A_269, %parallel_loop3A_270], %parallel_loop3A_268 {strides = array<i32>} : memref<128x128xf32, #tpu.memory_space<vmem>>, vector<16xf32>,
      %parallel_loop3A_272 = tpu.vector_load_idx %arg13[%parallel_loop3A_264, %parallel_loop3A_267] : memref<128x128xf32, #tpu.memory_space<vmem>>[vector<16xi32>, vector<16xi32>], vector<16xf32>,
      %parallel_loop3A_273 = arith.index_cast %parallel_loop3A_115 : i32 to index
      %parallel_loop3A_274 = arith.constant 112 : index
      %parallel_loop3A_275 = tpu.vector_load %arg15[%parallel_loop3A_273, %parallel_loop3A_274] {strides = array<i32>} : memref<128x128xf32, #tpu.memory_space<vmem>>, vector<16xf32>,
      tpu.vector_store %arg15[%parallel_loop3A_273, %parallel_loop3A_274], %parallel_loop3A_272 {strides = array<i32>} : memref<128x128xf32, #tpu.memory_space<vmem>>, vector<16xf32>,
    } {sc.loop_unroll_factor = 8 : i64, sc.parallel_access}
    %dma_start3A_75 = arith.constant 0 : i32
    %dma_start3A_76 = arith.constant 0 : i32
    %dma_start3A_77 = tpu.memref_slice %arg8[%select_n3A, %dma_start3A_75, %select_n3A_34, %dma_start3A_76] : memref<8x128x8x128xf32, #tpu.memory_space<hbm>> -> memref<1x128x1x128xf32, #tpu.memory_space<hbm>>
    %dma_start3A_78 = tpu.memref_squeeze %dma_start3A_77 : memref<1x128x1x128xf32, #tpu.memory_space<hbm>> -> memref<128x128xf32, #tpu.memory_space<hbm>>
    %dma_start3A_79 = arith.constant 0 : i32
    %dma_start3A_80 = arith.constant 0 : i32
    %dma_start3A_81 = tpu.memref_slice %arg8[%select_n3A, %dma_start3A_79, %select_n3A_34, %dma_start3A_80] : memref<8x128x8x128xf32, #tpu.memory_space<hbm>> -> memref<1x128x1x128xf32, #tpu.memory_space<hbm>>
    %dma_start3A_82 = tpu.memref_squeeze %dma_start3A_81 : memref<1x128x1x128xf32, #tpu.memory_space<hbm>> -> memref<128x128xf32, #tpu.memory_space<hbm>>
    tpu.enqueue_dma source(%arg14 : memref<128x128xf32, #tpu.memory_space<vmem>>) target(%dma_start3A_82 : memref<128x128xf32, #tpu.memory_space<hbm>>) target_semaphore(%arg22 : memref<!tpu.dma_semaphore, #tpu.memory_space<semaphore_mem>>)
    %add3A_83 = arith.constant 1 : i32
    %add3A_84 = arith.addi %select_n3A_34, %add3A_83 : i32
    %dma_start3A_85 = arith.constant 0 : i32
    %dma_start3A_86 = arith.constant 0 : i32
    %dma_start3A_87 = tpu.memref_slice %arg8[%select_n3A, %dma_start3A_85, %add3A_84, %dma_start3A_86] : memref<8x128x8x128xf32, #tpu.memory_space<hbm>> -> memref<1x128x1x128xf32, #tpu.memory_space<hbm>>
    %dma_start3A_88 = tpu.memref_squeeze %dma_start3A_87 : memref<1x128x1x128xf32, #tpu.memory_space<hbm>> -> memref<128x128xf32, #tpu.memory_space<hbm>>
    %dma_start3A_89 = arith.constant 0 : i32
    %dma_start3A_90 = arith.constant 0 : i32
    %dma_start3A_91 = tpu.memref_slice %arg8[%select_n3A, %dma_start3A_89, %add3A_84, %dma_start3A_90] : memref<8x128x8x128xf32, #tpu.memory_space<hbm>> -> memref<1x128x1x128xf32, #tpu.memory_space<hbm>>
    %dma_start3A_92 = tpu.memref_squeeze %dma_start3A_91 : memref<1x128x1x128xf32, #tpu.memory_space<hbm>> -> memref<128x128xf32, #tpu.memory_space<hbm>>
    tpu.enqueue_dma source(%arg15 : memref<128x128xf32, #tpu.memory_space<vmem>>) target(%dma_start3A_92 : memref<128x128xf32, #tpu.memory_space<hbm>>) target_semaphore(%arg22 : memref<!tpu.dma_semaphore, #tpu.memory_space<semaphore_mem>>)
    %dma_wait3A_93 = arith.constant 0 : i32
    %dma_wait3A_94 = tpu.memref_slice %arg2[%dma_wait3A_93] : memref<16384xi32, #tpu.memory_space<hbm>> -> memref<16384xi32, #tpu.memory_space<hbm>>
    tpu.wait_indirect_dma semaphore(%arg20 : memref<!tpu.dma_semaphore, #tpu.memory_space<semaphore_mem>>) src(%dma_wait3A_94 : memref<16384xi32, #tpu.memory_space<hbm>>) dst(%arg17 : memref<512xi32, #tpu.memory_space<vmem>>)
    %dma_wait3A_95 = arith.constant 0 : i32
    %dma_wait3A_96 = tpu.memref_slice %arg4[%dma_wait3A_95] : memref<16384xi32, #tpu.memory_space<hbm>> -> memref<16384xi32, #tpu.memory_space<hbm>>
    tpu.wait_indirect_dma semaphore(%arg20 : memref<!tpu.dma_semaphore, #tpu.memory_space<semaphore_mem>>) src(%dma_wait3A_96 : memref<16384xi32, #tpu.memory_space<hbm>>) dst(%arg18 : memref<512xi32, #tpu.memory_space<vmem>>)
    %dma_wait3A_97 = arith.constant 0 : i32
    %dma_wait3A_98 = tpu.memref_slice %arg5[%dma_wait3A_97] : memref<16384xf32, #tpu.memory_space<hbm>> -> memref<16384xf32, #tpu.memory_space<hbm>>
    tpu.wait_indirect_dma semaphore(%arg20 : memref<!tpu.dma_semaphore, #tpu.memory_space<semaphore_mem>>) src(%dma_wait3A_98 : memref<16384xf32, #tpu.memory_space<hbm>>) dst(%arg19 : memref<512xf32, #tpu.memory_space<vmem>>)
    "tpu.region"() ({
      %run_scoped3A = tpu.sem_alloc : memref<!tpu.dma_semaphore, #tpu.memory_space<semaphore_mem>>
      %dma_start3A_115 = tpu.memref_slice %arg7[%mul3A_2] : memref<16384xi32, #tpu.memory_space<hbm>> -> memref<512xi32, #tpu.memory_space<hbm>>
      %dma_start3A_116 = tpu.memref_slice %arg7[%mul3A_2] : memref<16384xi32, #tpu.memory_space<hbm>> -> memref<512xi32, #tpu.memory_space<hbm>>
      tpu.enqueue_dma source(%arg17 : memref<512xi32, #tpu.memory_space<vmem>>) target(%dma_start3A_116 : memref<512xi32, #tpu.memory_space<hbm>>) target_semaphore(%run_scoped3A : memref<!tpu.dma_semaphore, #tpu.memory_space<semaphore_mem>>)
      %dma_wait3A_117 = tpu.memref_slice %arg7[%mul3A_2] : memref<16384xi32, #tpu.memory_space<hbm>> -> memref<512xi32, #tpu.memory_space<hbm>>
      %dma_wait3A_118 = tpu.memref_slice %arg7[%mul3A_2] : memref<16384xi32, #tpu.memory_space<hbm>> -> memref<512xi32, #tpu.memory_space<hbm>>
      tpu.wait_dma2 semaphore(%run_scoped3A : memref<!tpu.dma_semaphore, #tpu.memory_space<semaphore_mem>>) src(%arg17 : memref<512xi32, #tpu.memory_space<vmem>>) dst(%dma_wait3A_118 : memref<512xi32, #tpu.memory_space<hbm>>)
      tpu.yield
    }) : () -> ()
    "tpu.region"() ({
      %run_scoped3A = tpu.sem_alloc : memref<!tpu.dma_semaphore, #tpu.memory_space<semaphore_mem>>
      %dma_start3A_115 = tpu.memref_slice %arg9[%mul3A_2] : memref<16384xi32, #tpu.memory_space<hbm>> -> memref<512xi32, #tpu.memory_space<hbm>>
      %dma_start3A_116 = tpu.memref_slice %arg9[%mul3A_2] : memref<16384xi32, #tpu.memory_space<hbm>> -> memref<512xi32, #tpu.memory_space<hbm>>
      tpu.enqueue_dma source(%arg18 : memref<512xi32, #tpu.memory_space<vmem>>) target(%dma_start3A_116 : memref<512xi32, #tpu.memory_space<hbm>>) target_semaphore(%run_scoped3A : memref<!tpu.dma_semaphore, #tpu.memory_space<semaphore_mem>>)
      %dma_wait3A_117 = tpu.memref_slice %arg9[%mul3A_2] : memref<16384xi32, #tpu.memory_space<hbm>> -> memref<512xi32, #tpu.memory_space<hbm>>
      %dma_wait3A_118 = tpu.memref_slice %arg9[%mul3A_2] : memref<16384xi32, #tpu.memory_space<hbm>> -> memref<512xi32, #tpu.memory_space<hbm>>
      tpu.wait_dma2 semaphore(%run_scoped3A : memref<!tpu.dma_semaphore, #tpu.memory_space<semaphore_mem>>) src(%arg18 : memref<512xi32, #tpu.memory_space<vmem>>) dst(%dma_wait3A_118 : memref<512xi32, #tpu.memory_space<hbm>>)
      tpu.yield
    }) : () -> ()
    "tpu.region"() ({
      %run_scoped3A = tpu.sem_alloc : memref<!tpu.dma_semaphore, #tpu.memory_space<semaphore_mem>>
      %dma_start3A_115 = tpu.memref_slice %arg10[%mul3A_2] : memref<16384xf32, #tpu.memory_space<hbm>> -> memref<512xf32, #tpu.memory_space<hbm>>
      %dma_start3A_116 = tpu.memref_slice %arg10[%mul3A_2] : memref<16384xf32, #tpu.memory_space<hbm>> -> memref<512xf32, #tpu.memory_space<hbm>>
      tpu.enqueue_dma source(%arg19 : memref<512xf32, #tpu.memory_space<vmem>>) target(%dma_start3A_116 : memref<512xf32, #tpu.memory_space<hbm>>) target_semaphore(%run_scoped3A : memref<!tpu.dma_semaphore, #tpu.memory_space<semaphore_mem>>)
      %dma_wait3A_117 = tpu.memref_slice %arg10[%mul3A_2] : memref<16384xf32, #tpu.memory_space<hbm>> -> memref<512xf32, #tpu.memory_space<hbm>>
      %dma_wait3A_118 = tpu.memref_slice %arg10[%mul3A_2] : memref<16384xf32, #tpu.memory_space<hbm>> -> memref<512xf32, #tpu.memory_space<hbm>>
      tpu.wait_dma2 semaphore(%run_scoped3A : memref<!tpu.dma_semaphore, #tpu.memory_space<semaphore_mem>>) src(%arg19 : memref<512xf32, #tpu.memory_space<vmem>>) dst(%dma_wait3A_118 : memref<512xf32, #tpu.memory_space<hbm>>)
      tpu.yield
    }) : () -> ()
    %dma_wait3A_99 = arith.constant 0 : i32
    %dma_wait3A_100 = arith.constant 0 : i32
    %dma_wait3A_101 = tpu.memref_slice %arg8[%select_n3A, %dma_wait3A_99, %select_n3A_34, %dma_wait3A_100] : memref<8x128x8x128xf32, #tpu.memory_space<hbm>> -> memref<1x128x1x128xf32, #tpu.memory_space<hbm>>
    %dma_wait3A_102 = tpu.memref_squeeze %dma_wait3A_101 : memref<1x128x1x128xf32, #tpu.memory_space<hbm>> -> memref<128x128xf32, #tpu.memory_space<hbm>>
    %dma_wait3A_103 = arith.constant 0 : i32
    %dma_wait3A_104 = arith.constant 0 : i32
    %dma_wait3A_105 = tpu.memref_slice %arg8[%select_n3A, %dma_wait3A_103, %select_n3A_34, %dma_wait3A_104] : memref<8x128x8x128xf32, #tpu.memory_space<hbm>> -> memref<1x128x1x128xf32, #tpu.memory_space<hbm>>
    %dma_wait3A_106 = tpu.memref_squeeze %dma_wait3A_105 : memref<1x128x1x128xf32, #tpu.memory_space<hbm>> -> memref<128x128xf32, #tpu.memory_space<hbm>>
    tpu.wait_dma2 semaphore(%arg22 : memref<!tpu.dma_semaphore, #tpu.memory_space<semaphore_mem>>) src(%arg14 : memref<128x128xf32, #tpu.memory_space<vmem>>) dst(%dma_wait3A_106 : memref<128x128xf32, #tpu.memory_space<hbm>>)
    %dma_wait3A_107 = arith.constant 0 : i32
    %dma_wait3A_108 = arith.constant 0 : i32
    %dma_wait3A_109 = tpu.memref_slice %arg8[%select_n3A, %dma_wait3A_107, %add3A_84, %dma_wait3A_108] : memref<8x128x8x128xf32, #tpu.memory_space<hbm>> -> memref<1x128x1x128xf32, #tpu.memory_space<hbm>>
    %dma_wait3A_110 = tpu.memref_squeeze %dma_wait3A_109 : memref<1x128x1x128xf32, #tpu.memory_space<hbm>> -> memref<128x128xf32, #tpu.memory_space<hbm>>
    %dma_wait3A_111 = arith.constant 0 : i32
    %dma_wait3A_112 = arith.constant 0 : i32
    %dma_wait3A_113 = tpu.memref_slice %arg8[%select_n3A, %dma_wait3A_111, %add3A_84, %dma_wait3A_112] : memref<8x128x8x128xf32, #tpu.memory_space<hbm>> -> memref<1x128x1x128xf32, #tpu.memory_space<hbm>>
    %dma_wait3A_114 = tpu.memref_squeeze %dma_wait3A_113 : memref<1x128x1x128xf32, #tpu.memory_space<hbm>> -> memref<128x128xf32, #tpu.memory_space<hbm>>
    tpu.wait_dma2 semaphore(%arg22 : memref<!tpu.dma_semaphore, #tpu.memory_space<semaphore_mem>>) src(%arg15 : memref<128x128xf32, #tpu.memory_space<vmem>>) dst(%dma_wait3A_114 : memref<128x128xf32, #tpu.memory_space<hbm>>)
    return
  }
}

</mosaic_0001>

<sc_bundles>
// kernel: kernel.3.cloned.1.call-start
scs
__scs_entry_jumppad:
0x0: {  	(pc) =	sbr.rel $0x88, $3  }
0x1: {  	(tag) =	ssettag $0x0;
	lr =	simm.s32 $0x1  }
0x2: {  	[smem:$0x3F9C] =	sst lr;
	_ =	strace $0xD0000000  }
0x3: {  	_ = 	snop  }
0x4: {  	_ = 	snop  }
0x5: {  	_ = 	snop  }
0x6: {  	_ = 	snop  }
0x7: {  	_ = 	snop  }
__scs_overlays_trampoline_lowered:
0x8: {  	[smem:$0x3FAB] =	sst s0  }
0x9: {  	[smem:$0x3FAC] =	sst s1  }
0xa: {  	[smem:$0x3FAD] =	sst s2  }
0xb: {  	[smem:$0x3FAE] =	sst s3  }
0xc: {  	[smem:$0x3FAF] =	sst s4  }
0xd: {  	[smem:$0x3FB0] =	sst s5  }
0xe: {  	[smem:$0x3FB1] =	sst s6  }
0xf: {  	[smem:$0x3FB2] =	sst s7  }
0x10: {  	[smem:$0x3FB3] =	sst s8  }
0x11: {  	[smem:$0x3FB4] =	sst s9;
	s0 =	simm.s32 @!p0 $0x0  }
0x12: {  	s1 =	sld [smem:$0x3F9A];
	s0 =	simm.s32 @p0 $0x1  }
0x13: {  	[smem:$0x3FB5] =	sst s0;
	s0 =	simm.s32 @!p1 $0x0  }
0x14: {  	s2 =	sld [smem:$0x3F99];
	s0 =	simm.s32 @p1 $0x1  }
0x15: {  	[smem:$0x3FB6] =	sst s0;
	s0 =	simm.s32 @!p2 $0x0  }
0x16: {  	s3 =	sld [smem:$0x3FDB];
	s0 =	simm.s32 @p2 $0x1  }
0x17: {  	s4 =	simm.s32 $0x1BF5;
	[smem:$0x3FB8] =	sst s0  }
0x18: {  	s0 =	sld [smem:$0x3F9B];
	_ =	swait.ge [sflag:s4], $0x0  }
0x19: {  	s7 =	sld [smem:$0x3F9C]  }
0x1a: {  	s8 =	sadd.s32 $0xFFFFE003, lr  }
0x1b: {  	s9 =	sadd.s32 $0xFFFFFEF7, lr;
	s5 =	simm.s32 $0xFFFFFFFF;
	p2 =	slt.u32 s8, $0xFFFFF086  }
0x1c: {  	p1 =	slt.u32 s9, $0xF7A;
	s5 =	simm.s32 @!p2 $0x0  }
0x1d: {  	s5 =	simm.s32 @p1 $0x1;
	p0 =	seq.s32 s7, s2  }
0x1e: {  	s7 =	smul.u32 @!p0 $0xF7A, s2;
	p2 =	seq.s32 @!p0 s5, $0x0  }
0x1f: {  	s9 =	smul.u32 $0xF7A, s1;
	s8 =	simm.s32 @!p0 $0x1BF5;
	p2 =	por !p2, p0  }
0x20: {  	[sflag:s8] =	ssyncset.s32 @!p0 $0xFFFFF086;
	s6 =	sadd.s32 @!p0 s3, s7;
	s7 =	simm.s32 @!p0 $0x108  }
0x21: {  	s3 =	sadd.s32 s3, s9;
	s6 =	sadd.s32 @!p0 $0x88, s6;
	s7 =	simm.s32 @p2 $0x1082  }
0x22: {  	[simem:s7], [sflag:s8] =	dma.local @!p0 [hbm:s6], $0xF7A  }
0x23: {  	s9 =	sor.u32 $0xD0000000, s2;
	s6 =	simm.s32 $0x108;
	_ =	swait.ge @!p0 [sflag:s8], $0x0  }
0x24: {  	s3 =	sadd.s32 $0x88, s3;
	s6 =	simm.s32 @!p1 $0x1082;
	[sflag:s4] =	ssyncset.s32 $0xFFFFF086  }
0x25: {  	[simem:s6], [sflag:s4] =	dma.local [hbm:s3], $0xF7A  }
0x26: {  	[smem:$0x3F9C] =	sst s1;
	(tag) =	ssettag s2;
	_ =	strace s9  }
0x27: {  	s1 =	sld [smem:$0x3FAC]  }
0x28: {  	s2 =	sld [smem:$0x3FAD]  }
0x29: {  	s4 =	sld [smem:$0x3FAF]  }
0x2a: {  	p0 =	seq.s32 s5, $0x0;
	s5 =	sld [smem:$0x3FB0]  }
0x2b: {  	s6 =	sld [smem:$0x3FB1]  }
0x2c: {  	s7 =	sld [smem:$0x3FB2]  }
0x2d: {  	s3 =	simm.s32 $0x108;
	s8 =	sld [smem:$0x3FB3]  }
0x2e: {  	s3 =	simm.s32 @!p0 $0x1082;
	s9 =	sld [smem:$0x3FB4]  }
0x2f: {  	lr =	sadd.s32 s0, s3;
	s0 =	sld [smem:$0x3FAB]  }
0x30: {  	s3 =	sld [smem:$0x3FAE]  }
0x31: {  	[smem:$0x3FB7] =	sst s10  }
0x32: {  	s10 =	sld [smem:$0x3FB5];
	_ =	sdelay $0x3  }
0x33: {  	p0 =	seq.s32 s10, $0x1;
	s10 =	sld [smem:$0x3FB7];
	_ =	sdelay $0x3  }
0x34: {  	[smem:$0x3FB7] =	sst s10  }
0x35: {  	s10 =	sld [smem:$0x3FB6];
	_ =	sdelay $0x3  }
0x36: {  	p1 =	seq.s32 s10, $0x1;
	s10 =	sld [smem:$0x3FB7];
	_ =	sdelay $0x3  }
0x37: {  	[smem:$0x3FB7] =	sst s10  }
0x38: {  	s10 =	sld [smem:$0x3FB8]  }
0x39: {  	_ = 	snop;
	(pc) =	sbr.ind lr, $3  }
0x3a: {  	_ = 	snop  }
0x3b: {  	_ = 	snop  }
0x3c: {  	p2 =	seq.s32 s10, $0x1;
	s10 =	sld [smem:$0x3FB7]  }
0x3d: {  	_ =	shalt  }
0x3e: {  	_ =	shalt  }
0x3f: {  	_ =	shalt  }
0x40: {  	_ =	shalt  }
0x41: {  	_ =	shalt  }
0x42: {  	_ =	shalt  }
0x43: {  	_ =	shalt  }
0x44: {  	_ =	shalt  }
0x45: {  	_ =	shalt  }
0x46: {  	_ =	shalt  }
0x47: {  	_ =	shalt  }
0x48: {  	_ =	shalt  }
0x49: {  	_ =	shalt  }
0x4a: {  	_ =	shalt  }
0x4b: {  	_ =	shalt  }
0x4c: {  	_ =	shalt  }
0x4d: {  	_ =	shalt  }
0x4e: {  	_ =	shalt  }
0x4f: {  	_ =	shalt  }
0x50: {  	_ =	shalt  }
0x51: {  	_ =	shalt  }
0x52: {  	_ =	shalt  }
0x53: {  	_ =	shalt  }
0x54: {  	_ =	shalt  }
0x55: {  	_ =	shalt  }
0x56: {  	_ =	shalt  }
0x57: {  	_ =	shalt  }
0x58: {  	_ =	shalt  }
0x59: {  	_ =	shalt  }
0x5a: {  	_ =	shalt  }
0x5b: {  	_ =	shalt  }
0x5c: {  	_ =	shalt  }
0x5d: {  	_ =	shalt  }
0x5e: {  	_ =	shalt  }
0x5f: {  	_ =	shalt  }
0x60: {  	_ =	shalt  }
0x61: {  	_ =	shalt  }
0x62: {  	_ =	shalt  }
0x63: {  	_ =	shalt  }
0x64: {  	_ =	shalt  }
0x65: {  	_ =	shalt  }
0x66: {  	_ =	shalt  }
0x67: {  	_ =	shalt  }
0x68: {  	_ =	shalt  }
0x69: {  	_ =	shalt  }
0x6a: {  	_ =	shalt  }
0x6b: {  	_ =	shalt  }
0x6c: {  	_ =	shalt  }
0x6d: {  	_ =	shalt  }
0x6e: {  	_ =	shalt  }
0x6f: {  	_ =	shalt  }
0x70: {  	_ =	shalt  }
0x71: {  	_ =	shalt  }
0x72: {  	_ =	shalt  }
0x73: {  	_ =	shalt  }
0x74: {  	_ =	shalt  }
0x75: {  	_ =	shalt  }
0x76: {  	_ =	shalt  }
0x77: {  	_ =	shalt  }
0x78: {  	_ =	shalt  }
0x79: {  	_ =	shalt  }
0x7a: {  	_ =	shalt  }
0x7b: {  	_ =	shalt  }
0x7c: {  	_ =	shalt  }
0x7d: {  	_ =	shalt  }
0x7e: {  	_ =	shalt  }
0x7f: {  	_ =	shalt  }
0x80: {  	_ =	shalt  }
0x81: {  	_ =	shalt  }
0x82: {  	_ =	shalt  }
0x83: {  	_ =	shalt  }
0x84: {  	_ =	shalt  }
0x85: {  	_ =	shalt  }
0x86: {  	_ =	shalt  }
0x87: {  	_ =	shalt  }
.Lfunc_end0:
.L_simem_size_0:
called_computation_lowered:
.L_overlay_start_0:
0x88: {  	s2 =	sld [smem:$0x3FD9]  }
0x89: {  	s3 =	sld [smem:$0x3FFE];
	_ =	sdelay $0x1  }
0x8a: {  	s1 =	srdreg.scid  }
0x8b: {  	s0 =	sand.u32 $0x1, s1  }
0x8c: {  	s15 =	sshll.u32 s0, $0xA;
	s2 =	sadd.s32 s3, s2  }
0x8d: {  	s2 =	sadd.s32 s2, s15  }
0x8e: {  	[smem:$0x3FC3] =	sst s2  }
0x8f: {  	_ = 	snop  }
0x90: {  	s2 =	sld [smem:$0x3FC9]  }
0x91: {  	s16 =	sld [smem:$0x3FC8]  }
0x92: {  	s4 =	sld [smem:$0x3FD0]  }
0x93: {  	s5 =	sld [smem:$0x3FC7]  }
0x94: {  	s6 =	sld [smem:$0x3FC6]  }
0x95: {  	s8 =	simm.s32 $0xA;
	s9 =	simm.s32 $0x10;
	s7 =	sld [smem:$0x3FC5]  }
0x96: {  	[smem:s9], [sflag:s8] =	dma.local [hbm:s4], $0x1  }
0x97: {  	_ =	swait.eq [sflag:s8], $0x1  }
0x98: {  	s17 =	sld [smem:$0x10]  }
0x99: {  	s18 =	sld [smem:$0x11];
	[sflag:s8] =	ssyncset.done $0x0  }
0x9a: {  	s10 =	sld [smem:$0x12];
	[sflag:s8] =	ssyncadd.s32 $0xFFFFFFFF  }
0x9b: {  	s19 =	sld [smem:$0x13];
	(tm) =	ssettm $0x1  }
0x9c: {  	s11 =	sld [smem:$0x3FFB];
	_ =	sdelay $0x3  }
0x9d: {  	_ =	strace s11  }
0x9e: {  	s11 =	sld [smem:$0x3FFC];
	_ =	sdelay $0x3  }
0x9f: {  	_ =	strace s11  }
0xa0: {  	s11 =	sld [smem:$0x3FFD];
	_ =	sdelay $0x3  }
0xa1: {  	_ =	strace s11  }
0xa2: {  	_ =	strace $0x8FFFFFFF  }
0xa3: {  	s20 =	sld [smem:$0x3FDB];
	_ =	sdelay $0x1  }
0xa4: {  	s12 =	simm.s32 $_scs_section_size  }
0xa5: {  	s13 =	simm.s32 $_size__tile_overlayer_lowered;
	s14 =	simm.s32 $_tile_overlayer_lowered  }
0xa6: {  	s23 =	simm.s32 $0x1BFF;
	s22 =	sshll.u32 s14, $0x1;
	s11 =	sadd.s32 s12, s20  }
0xa7: {  	s21 =	sshll.u32 s13, $0x1;
	s15 =	simm.s32 $0x0;
	s13 =	sadd.s32 s22, s11  }
0xa8: {  	[timem:s15], [sflag:s23] =	dma.local [hbm:s13], s21  }
0xa9: {  	_ =	swait.ge [sflag:s23], s21  }
0xaa: {  	s12 =	ssub.s32 $0x0, s21;
	[sflag:s23] =	ssyncset.done $0x0  }
0xab: {  	[sflag:s23] =	ssyncadd.s32 s12;
	_ =	sdelay $0x1  }
0xac: {  	s24 =	simm.s32 $0x1B8B  }
0xad: {  	_ =	swait.ge [sflag:s24], $0x1  }
0xae: {  	[sflag:s24] =	ssyncset.done $0x0  }
0xaf: {  	s25 =	simm.s32 $0x1B8E;
	[sflag:s24] =	ssyncadd.s32 $0xFFFFFFFF  }
0xb0: {  	s26 =	simm.s32 $execute0_lowered;
	[smem:$0x3FD2] =	sst s25  }
0xb1: {  	s12 =	sshll.u32 s26, $0x1;
	_ =	strace $0x80000046;
	[dreg:$0x1] =	wrdreg $0xFFFFFFFF  }
0xb2: {  	s28 =	simm.s32 $_size_execute0_lowered;
	s11 =	sadd.s32 s11, s12;
	[dreg:$0x0] =	wrdreg $0x0  }
0xb3: {  	s12 =	sshll.u32 s28, $0x1;
	[dreg:$0x2] =	wrdreg s11  }
0xb4: {  	[dreg:$0x3] =	wrdreg s12  }
0xb5: {  	[dreg:$0x4] =	wrdreg $0xC0  }
0xb6: {  	_ =	task [dreg:s15], $0x5FFFF  }
0xb7: {  	[dreg:$0x1] =	wrdreg $0xFFFFFFFF  }
0xb8: {  	[dreg:$0x0] =	wrdreg $0x60  }
0xb9: {  	[dreg:$0x2] =	wrdreg s2  }
0xba: {  	[dreg:$0x3] =	wrdreg s16  }
0xbb: {  	[dreg:$0x4] =	wrdreg s5  }
0xbc: {  	[dreg:$0x5] =	wrdreg s6  }
0xbd: {  	[dreg:$0x6] =	wrdreg s7  }
0xbe: {  	[dreg:$0x7] =	wrdreg s17  }
0xbf: {  	[dreg:$0x8] =	wrdreg s18  }
0xc0: {  	[dreg:$0x9] =	wrdreg s10  }
0xc1: {  	[dreg:$0xa] =	wrdreg s19  }
0xc2: {  	[dreg:$0xb] =	wrdreg $0x9  }
0xc3: {  	_ =	task.clear_ibuf [dreg:s15], $0xCFFFF;
	_ =	strace $0x90000046  }
0xc4: {  	s29 =	simm.s32 $0x9;
	_ =	strace $0x80000048  }
0xc5: {  	_ =	swait.ge [sflag:s29], $0x1  }
0xc6: {  	[sflag:s29] =	ssyncadd.s32 $0xFFFFFFFF  }
0xc7: {  	_ =	strace $0x90000048  }
0xc8: {  	_ =	sfence  }
0xc9: {  	s30 =	sld [smem:$0x0];
	_ =	sdelay $0x2  }
0xca: {  	s31 =	sshll.u32 s1, $0xD;
	s1 =	sshrl.u32 s1, $0x2  }
0xcb: {  	s3 =	sand.u32 $0x4000, s31;
	s1 =	sadd.s32 s1, s30  }
0xcc: {  	s0 =	sor.u32 s3, s0;
	s1 =	sshll.u32 s1, $0x11  }
0xcd: {  	s0 =	sor.u32 s1, s0  }
0xce: {  	s0 =	sadd.s32 $0x8F2B, s0  }
0xcf: {  	[sflag:s0] =	ssyncadd.remote.s32 $0x1  }
0xd0: {  	_ =	sfence.sel $0xFFFF  }
0xd1: {  	[dreg:$0x0] =	wrdreg $0xFFFFFFFF;
	(pc) =	sbr.abs _section_cstart, $3  }
0xd2: {  	[dreg:$0x1] =	wrdreg $0xFFFFFFFF  }
0xd3: {  	_ =	task.clear_ibuf [dreg:s15], $0x2FFFF;
	_ =	strace $0x9FFFFFFF  }
0xd4: {  	(tm) =	ssettm $0x7FFFFFFF  }
0xd5: {  	_ =	shalt  }
tec
execute0_lowered:
.L_overlay_start_1:
0x0: {  	(tag) =	ssettag $0x1  }
0x1: {  	s0 =	rddreg [dreg:$0x1]  }
0x2: {  	s3 =	rddreg [dreg:$0x4]  }
0x3: {  	s1 =	rddreg [dreg:$0x5]  }
0x4: {  	s2 =	rddreg [dreg:$0x6]  }
0x5: {  	s4 =	rddreg [dreg:$0x7];
	s5 =	srdreg.scid  }
0x6: {  	s9 =	stileid.u32;
	s14 =	rddreg [dreg:$0x8]  }
0x7: {  	s16 =	simm.s32 $0x14000;
	s17 =	simm.s32 $0x4;
	s18 =	simm.s32 $0x14200  }
0x8: {  	s19 =	simm.s32 $0x14400;
	s20 =	simm.s32 $0x14600;
	s21 =	simm.s32 $0x80  }
0x9: {  	s22 =	simm.s32 $0x400;
	s23 =	simm.s32 $0x4000;
	s24 =	simm.s32 $0x8000  }
0xa: {  	s25 =	simm.s32 $0x2;
	s28 =	simm.s32 $0x10000;
	s29 =	simm.s32 $0x1  }
0xb: {  	s30 =	simm.s32 $0x3;
	s5 =	sand.u32 $0x1, s5;
	s6 =	sshll.u32 s9, $0x1  }
0xc: {  	s31 =	simm.s32 $0x0;
	s9 =	sshll.u32 s9, $0xD;
	s7 =	sor.u32 s5, s6  }
0xd: {  	s6 =	simm.s32 $0x0;
	s5 =	ssub.s32 $0x2, s5;
	s8 =	sshll.u32 s7, $0x5  }
0xe: {  	[smem:$0x7FF] =	sst s6;
	s26 =	sshrl.u32 s5, $0x1;
	s15 =	sshll.u32 s7, $0x6  }
0xf: {  	s8 =	sor.u32 s9, s8;
	_ =	strace $0x80000047;
	s5 =	ssub.s32 s5, s26  }
0x10: {  	s7 =	sadd.s32 s3, s15;
	s12 =	sadd.s32 s1, s15;
	s13 =	sadd.s32 s4, s15  }
0x11: {  	s14 =	sadd.s32 s14, s15;
	s26 =	simm.s32 $0xC000;
	s10 =	sand.u32 $0x1C060, s8  }
0x12: {  	s15 =	smax.u32 s5, $0x1;
	s11 =	sor.u32 $0x10, s10;
	s8 =	sadd.s32 s0, s10  }
0x13: {  	s10 =	sadd.s32 s2, s10;
	s9 =	sadd.s32 s0, s11;
	s11 =	sadd.s32 s2, s11  }
.LBB2_1:
0x14: {  	[tilespmem:s16], [sflag:$0x4] =	stream.linear.gather [hbm4b:s7+s6], $0x200, $0x38;
	[tilespmem:$0x14800] =	vst v63  }
0x15: {  	_ =	swait.ge [sflag:s17], $0x200  }
0x16: {  	[sflag:s17] =	ssyncset.done $0x0  }
0x17: {  	[sflag:s17] =	ssyncadd.s32 $0xFFFFFE00  }
0x18: {  	s0 =	simm.s32 $0x200;
	s1 =	rddreg [dreg:$0x0]  }
0x19: {  	[tilespmem:s18], [sflag:$0x1] =	stream.indirect.gather [hbm4b:s1+s0], $0x1, s16, s0, $0xb8;
	[tilespmem:$0x14800] =	vst v63  }
0x1a: {  	s4 =	rddreg [dreg:$0x2]  }
0x1b: {  	[tilespmem:s19], [sflag:$0x1] =	stream.indirect.gather [hbm4b:s4+s0], $0x1, s16, s0, $0xb8;
	[tilespmem:$0x14800] =	vst v63  }
0x1c: {  	s5 =	rddreg [dreg:$0x3]  }
0x1d: {  	[tilespmem:s20], [sflag:$0x1] =	stream.indirect.gather [hbm4b:s5+s0], $0x1, s16, s0, $0xb8;
	[tilespmem:$0x14800] =	vst v63  }
0x1e: {  	_ = 	snop  }
0x1f: {  	[tilespmem:s23], [sflag:$0x2] =	stream.strided.gather [hbm4b:s8+s21], $0x4000, s22, s21, $0x38;
	[tilespmem:$0x14800] =	vst v63  }
0x20: {  	_ = 	snop  }
0x21: {  	[tilespmem:s24], [sflag:$0x2] =	stream.strided.gather [hbm4b:s9+s21], $0x4000, s22, s21, $0x38;
	[tilespmem:$0x14800] =	vst v63  }
0x22: {  	_ = 	snop  }
0x23: {  	[tilespmem:s6], [sflag:$0x2] =	stream.linear.gather [hbm4b:s3+s6], $0x4000, $0x38;
	[tilespmem:$0x14800] =	vst v63  }
0x24: {  	_ =	swait.ge [sflag:s25], $0x4000  }
0x25: {  	[sflag:s25] =	ssyncset.done $0x0  }
0x26: {  	[sflag:s25] =	ssyncadd.s32 $0xFFFFC000  }
0x27: {  	_ =	swait.ge [sflag:s25], $0x4000  }
0x28: {  	[sflag:s25] =	ssyncset.done $0x0  }
0x29: {  	[sflag:s25] =	ssyncadd.s32 $0xFFFFC000  }
0x2a: {  	_ =	swait.ge [sflag:s25], $0x4000  }
0x2b: {  	[sflag:s25] =	ssyncset.done $0x0  }
0x2c: {  	[sflag:s25] =	ssyncadd.s32 $0xFFFFC000  }
0x2d: {  	v0 =	vld [tilespmem:s0+$0x180]  }
0x2e: {  	v1 =	vld [tilespmem:s0+$0xFFFFFE80]  }
0x2f: {  	v2 =	vld [tilespmem:s0+$0xFFFFFF00]  }
0x30: {  	v3 =	vld [tilespmem:s0+$0xFFFFFF80]  }
0x31: {  	v4 =	vld [tilespmem:s0+$0x0]  }
0x32: {  	v5 =	vld [tilespmem:s0+$0x80]  }
0x33: {  	v6 =	vld [tilespmem:s0+$0x100]  }
0x34: {  	v7 =	vld [tilespmem:s0+$0xFFFFFE00]  }
0x35: {  	v8 =	vld.idx.msk [tilespmem:v0+s23+$0x0], $0xffff  }
0x36: {  	v9 =	vld.idx.msk [tilespmem:v1+s23+$0x0], $0xffff  }
0x37: {  	v10 =	vld.idx.msk [tilespmem:v2+s23+$0x0], $0xffff  }
0x38: {  	v11 =	vld.idx.msk [tilespmem:v3+s23+$0x0], $0xffff  }
0x39: {  	v12 =	vld.idx.msk [tilespmem:v4+s23+$0x0], $0xffff  }
0x3a: {  	s5 =	simm.s32 $0xC200;
	v13 =	vld.idx.msk [tilespmem:v5+s23+$0x0], $0xffff  }
0x3b: {  	v14 =	vld.idx.msk [tilespmem:v6+s23+$0x0], $0xffff;
	[tilespmem:s5+$0x180] =	vst v8  }
0x3c: {  	[tilespmem:s5+$0xFFFFFE80] =	vst v9;
	v8 =	vld.idx.msk [tilespmem:v7+s23+$0x0], $0xffff  }
0x3d: {  	[tilespmem:s5+$0xFFFFFF00] =	vst v10;
	v0 =	vld.idx.msk [tilespmem:v0+s24+$0x0], $0xffff  }
0x3e: {  	[tilespmem:s5+$0xFFFFFF80] =	vst v11;
	v1 =	vld.idx.msk [tilespmem:v1+s24+$0x0], $0xffff  }
0x3f: {  	[tilespmem:s5+$0x0] =	vst v12;
	v2 =	vld.idx.msk [tilespmem:v2+s24+$0x0], $0xffff  }
0x40: {  	[tilespmem:s5+$0x80] =	vst v13;
	v3 =	vld.idx.msk [tilespmem:v3+s24+$0x0], $0xffff  }
0x41: {  	[tilespmem:s5+$0x100] =	vst v14;
	v4 =	vld.idx.msk [tilespmem:v4+s24+$0x0], $0xffff  }
0x42: {  	s4 =	simm.s32 $0x10200;
	v5 =	vld.idx.msk [tilespmem:v5+s24+$0x0], $0xffff;
	[tilespmem:s5+$0xFFFFFE00] =	vst v8  }
0x43: {  	[tilespmem:s4+$0x180] =	vst v0;
	v7 =	vld.idx.msk [tilespmem:v7+s24+$0x0], $0xffff  }
0x44: {  	[tilespmem:s4+$0xFFFFFE80] =	vst v1;
	v1 =	vld.idx.msk [tilespmem:v6+s24+$0x0], $0xffff  }
0x45: {  	[tilespmem:s4+$0xFFFFFF00] =	vst v2;
	v0 =	vld [tilespmem:s0+$0x190]  }
0x46: {  	[tilespmem:s4+$0xFFFFFF80] =	vst v3;
	v2 =	vld [tilespmem:s0+$0xFFFFFE90]  }
0x47: {  	[tilespmem:s4+$0x0] =	vst v4;
	v3 =	vld [tilespmem:s0+$0xFFFFFF10]  }
0x48: {  	[tilespmem:s4+$0x80] =	vst v5;
	v4 =	vld [tilespmem:s0+$0xFFFFFF90]  }
0x49: {  	v5 =	vld [tilespmem:s0+$0x10];
	[tilespmem:s4+$0xFFFFFE00] =	vst v7  }
0x4a: {  	[tilespmem:s4+$0x100] =	vst v1;
	v1 =	vld [tilespmem:s0+$0xFFFFFE10]  }
0x4b: {  	v6 =	vld [tilespmem:s0+$0x90]  }
0x4c: {  	v8 =	vld [tilespmem:s0+$0x110]  }
0x4d: {  	v7 =	vld.idx.msk [tilespmem:v0+s23+$0x0], $0xffff  }
0x4e: {  	v9 =	vld.idx.msk [tilespmem:v2+s23+$0x0], $0xffff  }
0x4f: {  	v10 =	vld.idx.msk [tilespmem:v3+s23+$0x0], $0xffff  }
0x50: {  	v11 =	vld.idx.msk [tilespmem:v4+s23+$0x0], $0xffff  }
0x51: {  	v12 =	vld.idx.msk [tilespmem:v5+s23+$0x0], $0xffff  }
0x52: {  	[tilespmem:s5+$0x190] =	vst v7;
	v47 =	vld.idx.msk [tilespmem:v1+s23+$0x0], $0xffff  }
0x53: {  	v7 =	vld.idx.msk [tilespmem:v6+s23+$0x0], $0xffff;
	[tilespmem:s5+$0xFFFFFE90] =	vst v9  }
0x54: {  	v48 =	vld.idx.msk [tilespmem:v8+s23+$0x0], $0xffff;
	[tilespmem:s5+$0xFFFFFF10] =	vst v10  }
0x55: {  	[tilespmem:s5+$0xFFFFFF90] =	vst v11;
	v0 =	vld.idx.msk [tilespmem:v0+s24+$0x0], $0xffff  }
0x56: {  	[tilespmem:s5+$0x10] =	vst v12;
	v2 =	vld.idx.msk [tilespmem:v2+s24+$0x0], $0xffff  }
0x57: {  	v3 =	vld.idx.msk [tilespmem:v3+s24+$0x0], $0xffff;
	[tilespmem:s5+$0xFFFFFE10] =	vst v47  }
0x58: {  	v4 =	vld.idx.msk [tilespmem:v4+s24+$0x0], $0xffff;
	[tilespmem:s5+$0x90] =	vst v7  }
0x59: {  	v5 =	vld.idx.msk [tilespmem:v5+s24+$0x0], $0xffff;
	[tilespmem:s5+$0x110] =	vst v48  }
0x5a: {  	[tilespmem:s4+$0x190] =	vst v0;
	v1 =	vld.idx.msk [tilespmem:v1+s24+$0x0], $0xffff  }
0x5b: {  	v6 =	vld.idx.msk [tilespmem:v6+s24+$0x0], $0xffff;
	[tilespmem:s4+$0xFFFFFE90] =	vst v2  }
0x5c: {  	v2 =	vld.idx.msk [tilespmem:v8+s24+$0x0], $0xffff;
	[tilespmem:s4+$0xFFFFFF10] =	vst v3  }
0x5d: {  	[tilespmem:s4+$0xFFFFFF90] =	vst v4;
	v0 =	vld [tilespmem:s0+$0x1A0]  }
0x5e: {  	[tilespmem:s4+$0x10] =	vst v5;
	v3 =	vld [tilespmem:s0+$0xFFFFFEA0]  }
0x5f: {  	v4 =	vld [tilespmem:s0+$0xFFFFFF20];
	[tilespmem:s4+$0xFFFFFE10] =	vst v1  }
0x60: {  	[tilespmem:s4+$0x90] =	vst v6;
	v6 =	vld [tilespmem:s0+$0x20]  }
0x61: {  	v5 =	vld [tilespmem:s0+$0xFFFFFE20]  }
0x62: {  	v7 =	vld [tilespmem:s0+$0xFFFFFFA0]  }
0x63: {  	[tilespmem:s4+$0x110] =	vst v2;
	v2 =	vld [tilespmem:s0+$0xA0]  }
0x64: {  	v8 =	vld [tilespmem:s0+$0x120]  }
0x65: {  	v1 =	vld.idx.msk [tilespmem:v0+s23+$0x0], $0xffff  }
0x66: {  	v49 =	vld.idx.msk [tilespmem:v3+s23+$0x0], $0xffff  }
0x67: {  	v10 =	vld.idx.msk [tilespmem:v4+s23+$0x0], $0xffff  }
0x68: {  	v12 =	vld.idx.msk [tilespmem:v6+s23+$0x0], $0xffff  }
0x69: {  	v50 =	vld.idx.msk [tilespmem:v5+s23+$0x0], $0xffff  }
0x6a: {  	[tilespmem:s5+$0x1A0] =	vst v1;
	v1 =	vld.idx.msk [tilespmem:v7+s23+$0x0], $0xffff  }
0x6b: {  	v51 =	vld.idx.msk [tilespmem:v2+s23+$0x0], $0xffff;
	[tilespmem:s5+$0xFFFFFEA0] =	vst v49  }
0x6c: {  	v52 =	vld.idx.msk [tilespmem:v8+s23+$0x0], $0xffff;
	[tilespmem:s5+$0xFFFFFF20] =	vst v10  }
0x6d: {  	v0 =	vld.idx.msk [tilespmem:v0+s24+$0x0], $0xffff;
	[tilespmem:s5+$0x20] =	vst v12  }
0x6e: {  	v3 =	vld.idx.msk [tilespmem:v3+s24+$0x0], $0xffff;
	[tilespmem:s5+$0xFFFFFE20] =	vst v50  }
0x6f: {  	v4 =	vld.idx.msk [tilespmem:v4+s24+$0x0], $0xffff;
	[tilespmem:s5+$0xFFFFFFA0] =	vst v1  }
0x70: {  	[tilespmem:s5+$0xA0] =	vst v51;
	v6 =	vld.idx.msk [tilespmem:v6+s24+$0x0], $0xffff  }
0x71: {  	[tilespmem:s5+$0x120] =	vst v52;
	v1 =	vld.idx.msk [tilespmem:v5+s24+$0x0], $0xffff  }
0x72: {  	[tilespmem:s4+$0x1A0] =	vst v0;
	v5 =	vld.idx.msk [tilespmem:v7+s24+$0x0], $0xffff  }
0x73: {  	v2 =	vld.idx.msk [tilespmem:v2+s24+$0x0], $0xffff;
	[tilespmem:s4+$0xFFFFFEA0] =	vst v3  }
0x74: {  	v3 =	vld.idx.msk [tilespmem:v8+s24+$0x0], $0xffff;
	[tilespmem:s4+$0xFFFFFF20] =	vst v4  }
0x75: {  	v0 =	vld [tilespmem:s0+$0x1B0];
	[tilespmem:s4+$0x20] =	vst v6  }
0x76: {  	v7 =	vld [tilespmem:s0+$0xFFFFFEB0];
	[tilespmem:s4+$0xFFFFFE20] =	vst v1  }
0x77: {  	[tilespmem:s4+$0xFFFFFFA0] =	vst v5;
	v5 =	vld [tilespmem:s0+$0xFFFFFF30]  }
0x78: {  	[tilespmem:s4+$0xA0] =	vst v2;
	v2 =	vld [tilespmem:s0+$0x30]  }
0x79: {  	v4 =	vld [tilespmem:s0+$0xFFFFFE30]  }
0x7a: {  	v6 =	vld [tilespmem:s0+$0xFFFFFFB0]  }
0x7b: {  	[tilespmem:s4+$0x120] =	vst v3;
	v3 =	vld [tilespmem:s0+$0xB0]  }
0x7c: {  	v8 =	vld [tilespmem:s0+$0x130]  }
0x7d: {  	v1 =	vld.idx.msk [tilespmem:v0+s23+$0x0], $0xffff;
	_ =	sdelay $0x1  }
0x7e: {  	v10 =	vld.idx.msk [tilespmem:v5+s23+$0x0], $0xffff  }
0x7f: {  	v12 =	vld.idx.msk [tilespmem:v2+s23+$0x0], $0xffff  }
0x80: {  	v53 =	vld.idx.msk [tilespmem:v4+s23+$0x0], $0xffff  }
0x81: {  	[tilespmem:s5+$0x1B0] =	vst v1;
	v1 =	vld.idx.msk [tilespmem:v7+s23+$0x0], $0xffff  }
0x82: {  	v54 =	vld.idx.msk [tilespmem:v6+s23+$0x0], $0xffff  }
0x83: {  	v13 =	vld.idx.msk [tilespmem:v3+s23+$0x0], $0xffff;
	[tilespmem:s5+$0xFFFFFF30] =	vst v10  }
0x84: {  	v55 =	vld.idx.msk [tilespmem:v8+s23+$0x0], $0xffff;
	[tilespmem:s5+$0x30] =	vst v12  }
0x85: {  	v0 =	vld.idx.msk [tilespmem:v0+s24+$0x0], $0xffff;
	[tilespmem:s5+$0xFFFFFE30] =	vst v53  }
0x86: {  	[tilespmem:s5+$0xFFFFFEB0] =	vst v1;
	v5 =	vld.idx.msk [tilespmem:v5+s24+$0x0], $0xffff  }
0x87: {  	[tilespmem:s5+$0xFFFFFFB0] =	vst v54;
	v2 =	vld.idx.msk [tilespmem:v2+s24+$0x0], $0xffff  }
0x88: {  	[tilespmem:s5+$0xB0] =	vst v13;
	v1 =	vld.idx.msk [tilespmem:v4+s24+$0x0], $0xffff  }
0x89: {  	[tilespmem:s5+$0x130] =	vst v55;
	v6 =	vld.idx.msk [tilespmem:v6+s24+$0x0], $0xffff  }
0x8a: {  	[tilespmem:s4+$0x1B0] =	vst v0;
	v4 =	vld.idx.msk [tilespmem:v7+s24+$0x0], $0xffff  }
0x8b: {  	v0 =	vld [tilespmem:s0+$0x1C0];
	[tilespmem:s4+$0xFFFFFF30] =	vst v5  }
0x8c: {  	v3 =	vld.idx.msk [tilespmem:v3+s24+$0x0], $0xffff;
	[tilespmem:s4+$0x30] =	vst v2  }
0x8d: {  	[tilespmem:s4+$0xFFFFFE30] =	vst v1;
	v1 =	vld.idx.msk [tilespmem:v8+s24+$0x0], $0xffff  }
0x8e: {  	[tilespmem:s4+$0xFFFFFFB0] =	vst v6;
	v6 =	vld [tilespmem:s0+$0xFFFFFF40]  }
0x8f: {  	v8 =	vld [tilespmem:s0+$0x40]  }
0x90: {  	[tilespmem:s4+$0xFFFFFEB0] =	vst v4;
	v4 =	vld [tilespmem:s0+$0xFFFFFE40]  }
0x91: {  	v5 =	vld [tilespmem:s0+$0xFFFFFEC0]  }
0x92: {  	v2 =	vld [tilespmem:s0+$0xFFFFFFC0]  }
0x93: {  	[tilespmem:s4+$0xB0] =	vst v3;
	v7 =	vld.idx.msk [tilespmem:v0+s23+$0x0], $0xffff  }
0x94: {  	[tilespmem:s4+$0x130] =	vst v1;
	v1 =	vld [tilespmem:s0+$0xC0]  }
0x95: {  	v3 =	vld [tilespmem:s0+$0x140]  }
0x96: {  	v10 =	vld.idx.msk [tilespmem:v6+s23+$0x0], $0xffff  }
0x97: {  	v12 =	vld.idx.msk [tilespmem:v8+s23+$0x0], $0xffff  }
0x98: {  	[tilespmem:s5+$0x1C0] =	vst v7;
	v7 =	vld.idx.msk [tilespmem:v4+s23+$0x0], $0xffff  }
0x99: {  	v56 =	vld.idx.msk [tilespmem:v5+s23+$0x0], $0xffff  }
0x9a: {  	v11 =	vld.idx.msk [tilespmem:v2+s23+$0x0], $0xffff  }
0x9b: {  	v0 =	vld.idx.msk [tilespmem:v0+s24+$0x0], $0xffff  }
0x9c: {  	v13 =	vld.idx.msk [tilespmem:v1+s23+$0x0], $0xffff;
	[tilespmem:s5+$0xFFFFFF40] =	vst v10  }
0x9d: {  	[tilespmem:s5+$0xFFFFFE40] =	vst v7;
	v7 =	vld.idx.msk [tilespmem:v3+s23+$0x0], $0xffff  }
0x9e: {  	[tilespmem:s5+$0x40] =	vst v12;
	v6 =	vld.idx.msk [tilespmem:v6+s24+$0x0], $0xffff  }
0x9f: {  	v8 =	vld.idx.msk [tilespmem:v8+s24+$0x0], $0xffff  }
0xa0: {  	[tilespmem:s5+$0xFFFFFEC0] =	vst v56;
	v4 =	vld.idx.msk [tilespmem:v4+s24+$0x0], $0xffff  }
0xa1: {  	[tilespmem:s4+$0x1C0] =	vst v0;
	v5 =	vld.idx.msk [tilespmem:v5+s24+$0x0], $0xffff  }
0xa2: {  	[tilespmem:s5+$0xFFFFFFC0] =	vst v11;
	v0 =	vld [tilespmem:s0+$0x1D0]  }
0xa3: {  	v2 =	vld.idx.msk [tilespmem:v2+s24+$0x0], $0xffff;
	[tilespmem:s5+$0xC0] =	vst v13  }
0xa4: {  	[tilespmem:s5+$0x140] =	vst v7;
	v1 =	vld.idx.msk [tilespmem:v1+s24+$0x0], $0xffff  }
0xa5: {  	[tilespmem:s4+$0xFFFFFF40] =	vst v6;
	v3 =	vld.idx.msk [tilespmem:v3+s24+$0x0], $0xffff  }
0xa6: {  	[tilespmem:s4+$0xFFFFFE40] =	vst v4;
	v6 =	vld [tilespmem:s0+$0xFFFFFF50]  }
0xa7: {  	[tilespmem:s4+$0xFFFFFEC0] =	vst v5;
	v4 =	vld [tilespmem:s0+$0xFFFFFE50]  }
0xa8: {  	[tilespmem:s4+$0xFFFFFFC0] =	vst v2;
	v5 =	vld [tilespmem:s0+$0xFFFFFED0]  }
0xa9: {  	v2 =	vld [tilespmem:s0+$0xFFFFFFD0]  }
0xaa: {  	[tilespmem:s4+$0x40] =	vst v8;
	v57 =	vld.idx.msk [tilespmem:v0+s23+$0x0], $0xffff  }
0xab: {  	[tilespmem:s4+$0xC0] =	vst v1;
	v1 =	vld [tilespmem:s0+$0x50]  }
0xac: {  	[tilespmem:s4+$0x140] =	vst v3;
	v3 =	vld [tilespmem:s0+$0xD0]  }
0xad: {  	v7 =	vld [tilespmem:s0+$0x150]  }
0xae: {  	v10 =	vld.idx.msk [tilespmem:v6+s23+$0x0], $0xffff  }
0xaf: {  	v8 =	vld.idx.msk [tilespmem:v4+s23+$0x0], $0xffff  }
0xb0: {  	v58 =	vld.idx.msk [tilespmem:v5+s23+$0x0], $0xffff  }
0xb1: {  	[tilespmem:s5+$0x1D0] =	vst v57;
	v11 =	vld.idx.msk [tilespmem:v2+s23+$0x0], $0xffff  }
0xb2: {  	v0 =	vld.idx.msk [tilespmem:v0+s24+$0x0], $0xffff  }
0xb3: {  	v12 =	vld.idx.msk [tilespmem:v1+s23+$0x0], $0xffff  }
0xb4: {  	v13 =	vld.idx.msk [tilespmem:v3+s23+$0x0], $0xffff;
	[tilespmem:s5+$0xFFFFFF50] =	vst v10  }
0xb5: {  	[tilespmem:s5+$0xFFFFFE50] =	vst v8;
	v8 =	vld.idx.msk [tilespmem:v7+s23+$0x0], $0xffff  }
0xb6: {  	[tilespmem:s5+$0xFFFFFED0] =	vst v58;
	v6 =	vld.idx.msk [tilespmem:v6+s24+$0x0], $0xffff  }
0xb7: {  	[tilespmem:s5+$0xFFFFFFD0] =	vst v11;
	v4 =	vld.idx.msk [tilespmem:v4+s24+$0x0], $0xffff  }
0xb8: {  	[tilespmem:s4+$0x1D0] =	vst v0;
	v5 =	vld.idx.msk [tilespmem:v5+s24+$0x0], $0xffff  }
0xb9: {  	v2 =	vld.idx.msk [tilespmem:v2+s24+$0x0], $0xffff;
	[tilespmem:s5+$0x50] =	vst v12  }
0xba: {  	v0 =	vld [tilespmem:s0+$0x1E0];
	[tilespmem:s5+$0xD0] =	vst v13  }
0xbb: {  	[tilespmem:s5+$0x150] =	vst v8  }
0xbc: {  	v1 =	vld.idx.msk [tilespmem:v1+s24+$0x0], $0xffff;
	[tilespmem:s4+$0xFFFFFF50] =	vst v6  }
0xbd: {  	v3 =	vld.idx.msk [tilespmem:v3+s24+$0x0], $0xffff;
	[tilespmem:s4+$0xFFFFFE50] =	vst v4  }
0xbe: {  	v4 =	vld.idx.msk [tilespmem:v7+s24+$0x0], $0xffff;
	[tilespmem:s4+$0xFFFFFED0] =	vst v5  }
0xbf: {  	[tilespmem:s4+$0xFFFFFFD0] =	vst v2;
	v2 =	vld [tilespmem:s0+$0xFFFFFF60]  }
0xc0: {  	v5 =	vld [tilespmem:s0+$0xFFFFFEE0]  }
0xc1: {  	[tilespmem:s4+$0x50] =	vst v1;
	v1 =	vld [tilespmem:s0+$0xFFFFFFE0]  }
0xc2: {  	v59 =	vld.idx.msk [tilespmem:v0+s23+$0x0], $0xffff  }
0xc3: {  	[tilespmem:s4+$0xD0] =	vst v3;
	v3 =	vld [tilespmem:s0+$0x60]  }
0xc4: {  	[tilespmem:s4+$0x150] =	vst v4;
	v4 =	vld [tilespmem:s0+$0xE0]  }
0xc5: {  	v6 =	vld [tilespmem:s0+$0x160]  }
0xc6: {  	v7 =	vld [tilespmem:s0+$0xFFFFFE60]  }
0xc7: {  	v10 =	vld.idx.msk [tilespmem:v2+s23+$0x0], $0xffff  }
0xc8: {  	[tilespmem:s5+$0x1E0] =	vst v59;
	v60 =	vld.idx.msk [tilespmem:v5+s23+$0x0], $0xffff  }
0xc9: {  	v0 =	vld.idx.msk [tilespmem:v0+s24+$0x0], $0xffff  }
0xca: {  	v11 =	vld.idx.msk [tilespmem:v1+s23+$0x0], $0xffff  }
0xcb: {  	v12 =	vld.idx.msk [tilespmem:v3+s23+$0x0], $0xffff  }
0xcc: {  	v13 =	vld.idx.msk [tilespmem:v4+s23+$0x0], $0xffff  }
0xcd: {  	[tilespmem:s5+$0xFFFFFF60] =	vst v10;
	v14 =	vld.idx.msk [tilespmem:v6+s23+$0x0], $0xffff  }
0xce: {  	[tilespmem:s4+$0x1E0] =	vst v0;
	v0 =	vld.idx.msk [tilespmem:v7+s23+$0x0], $0xffff  }
0xcf: {  	[tilespmem:s5+$0xFFFFFEE0] =	vst v60;
	v2 =	vld.idx.msk [tilespmem:v2+s24+$0x0], $0xffff  }
0xd0: {  	v5 =	vld.idx.msk [tilespmem:v5+s24+$0x0], $0xffff;
	[tilespmem:s5+$0xFFFFFFE0] =	vst v11  }
0xd1: {  	v8 =	vld [tilespmem:s0+$0x1F0];
	[tilespmem:s5+$0x60] =	vst v12  }
0xd2: {  	v1 =	vld.idx.msk [tilespmem:v1+s24+$0x0], $0xffff;
	[tilespmem:s5+$0xE0] =	vst v13  }
0xd3: {  	v3 =	vld.idx.msk [tilespmem:v3+s24+$0x0], $0xffff;
	[tilespmem:s5+$0xFFFFFE60] =	vst v0  }
0xd4: {  	[tilespmem:s5+$0x160] =	vst v14;
	v7 =	vld.idx.msk [tilespmem:v7+s24+$0x0], $0xffff  }
0xd5: {  	v4 =	vld.idx.msk [tilespmem:v4+s24+$0x0], $0xffff;
	[tilespmem:s4+$0xFFFFFF60] =	vst v2  }
0xd6: {  	v6 =	vld.idx.msk [tilespmem:v6+s24+$0x0], $0xffff;
	[tilespmem:s4+$0xFFFFFEE0] =	vst v5  }
0xd7: {  	v2 =	vld [tilespmem:s0+$0xFFFFFEF0];
	[tilespmem:s4+$0xFFFFFFE0] =	vst v1  }
0xd8: {  	v61 =	vld [tilespmem:s0+$0xFFFFFFF0]  }
0xd9: {  	v0 =	vld.idx.msk [tilespmem:v8+s23+$0x0], $0xffff;
	[tilespmem:s4+$0xFFFFFE60] =	vst v7  }
0xda: {  	[tilespmem:s4+$0x60] =	vst v3;
	v5 =	vld [tilespmem:s0+$0xFFFFFE70]  }
0xdb: {  	v62 =	vld [tilespmem:s0+$0x70]  }
0xdc: {  	[tilespmem:s4+$0xE0] =	vst v4;
	v7 =	vld [tilespmem:s0+$0xFFFFFF70]  }
0xdd: {  	v63 =	vld [tilespmem:s0+$0xF0];
	[tilespmem:s4+$0x160] =	vst v6  }
0xde: {  	[tilespmem:s5+$0x1F0] =	vst v0;
	v0 =	vld [tilespmem:s0+$0x170]  }
0xdf: {  	v4 =	vld.idx.msk [tilespmem:v2+s23+$0x0], $0xffff  }
0xe0: {  	v1 =	vld.idx.msk [tilespmem:v8+s24+$0x0], $0xffff  }
0xe1: {  	v8 =	vld.idx.msk [tilespmem:v61+s23+$0x0], $0xffff  }
0xe2: {  	v3 =	vld.idx.msk [tilespmem:v5+s23+$0x0], $0xffff  }
0xe3: {  	v12 =	vld.idx.msk [tilespmem:v62+s23+$0x0], $0xffff  }
0xe4: {  	v6 =	vld.idx.msk [tilespmem:v7+s23+$0x0], $0xffff  }
0xe5: {  	v13 =	vld.idx.msk [tilespmem:v63+s23+$0x0], $0xffff;
	[tilespmem:s5+$0xFFFFFEF0] =	vst v4  }
0xe6: {  	[tilespmem:s4+$0x1F0] =	vst v1;
	v2 =	vld.idx.msk [tilespmem:v2+s24+$0x0], $0xffff  }
0xe7: {  	v14 =	vld.idx.msk [tilespmem:v0+s23+$0x0], $0xffff;
	[tilespmem:s5+$0xFFFFFE70] =	vst v3  }
0xe8: {  	[tilespmem:s5+$0xFFFFFFF0] =	vst v8;
	v1 =	vld.idx.msk [tilespmem:v5+s24+$0x0], $0xffff  }
0xe9: {  	v4 =	vld.idx.msk [tilespmem:v61+s24+$0x0], $0xffff;
	[tilespmem:s5+$0xFFFFFF70] =	vst v6  }
0xea: {  	[tilespmem:s5+$0xF0] =	vst v13;
	v3 =	vld.idx.msk [tilespmem:v7+s24+$0x0], $0xffff  }
0xeb: {  	[tilespmem:s5+$0x70] =	vst v12;
	v6 =	vld.idx.msk [tilespmem:v63+s24+$0x0], $0xffff  }
0xec: {  	s2 =	simm.s32 $0x600;
	s1 =	simm.s32 $0x0;
	s0 =	simm.s32 $0x10200;
	v5 =	vld.idx.msk [tilespmem:v62+s24+$0x0], $0xffff;
	[tilespmem:s5+$0x170] =	vst v14  }
.LBB2_2:
0xed: {  	v7 =	vld [tilespmem:s2+$0x180];
	s1 =	sadd.s32 $0x8, s1;
	[tilespmem:s4+$0xFFFFFE70] =	vst v1  }
0xee: {  	v1 =	vld [tilespmem:s2+$0xFFFFFE80];
	p0 =	slt.u32 s1, $0x78;
	[tilespmem:s4+$0xFFFFFEF0] =	vst v2  }
0xef: {  	v2 =	vld [tilespmem:s2+$0xFFFFFF00];
	[tilespmem:s4+$0xFFFFFF70] =	vst v3  }
0xf0: {  	v3 =	vld [tilespmem:s2+$0xFFFFFF80];
	[tilespmem:s4+$0xFFFFFFF0] =	vst v4  }
0xf1: {  	v4 =	vld [tilespmem:s2+$0x0];
	[tilespmem:s4+$0x70] =	vst v5  }
0xf2: {  	v5 =	vld [tilespmem:s2+$0x80];
	[tilespmem:s4+$0xF0] =	vst v6  }
0xf3: {  	v6 =	vld [tilespmem:s2+$0x100]  }
0xf4: {  	v8 =	vld [tilespmem:s2+$0xFFFFFE00]  }
0xf5: {  	v9 =	vld.idx.msk [tilespmem:v7+s23+$0x0], $0xffff  }
0xf6: {  	v10 =	vld.idx.msk [tilespmem:v1+s23+$0x0], $0xffff  }
0xf7: {  	v11 =	vld.idx.msk [tilespmem:v2+s23+$0x0], $0xffff  }
0xf8: {  	v12 =	vld.idx.msk [tilespmem:v3+s23+$0x0], $0xffff  }
0xf9: {  	v13 =	vld.idx.msk [tilespmem:v4+s23+$0x0], $0xffff  }
0xfa: {  	s5 =	sadd.s32 $0x400, s5;
	v14 =	vld.idx.msk [tilespmem:v5+s23+$0x0], $0xffff  }
0xfb: {  	v15 =	vld.idx.msk [tilespmem:v6+s23+$0x0], $0xffff;
	[tilespmem:s5+$0x180] =	vst v9  }
0xfc: {  	[tilespmem:s5+$0xFFFFFE80] =	vst v10;
	v7 =	vld.idx.msk [tilespmem:v7+s24+$0x0], $0xffff  }
0xfd: {  	v9 =	vld.idx.msk [tilespmem:v8+s23+$0x0], $0xffff;
	[tilespmem:s5+$0xFFFFFF00] =	vst v11  }
0xfe: {  	v1 =	vld.idx.msk [tilespmem:v1+s24+$0x0], $0xffff;
	[tilespmem:s5+$0xFFFFFF80] =	vst v12  }
0xff: {  	v2 =	vld.idx.msk [tilespmem:v2+s24+$0x0], $0xffff;
	[tilespmem:s5+$0x0] =	vst v13  }
0x100: {  	v3 =	vld.idx.msk [tilespmem:v3+s24+$0x0], $0xffff;
	[tilespmem:s5+$0x80] =	vst v14  }
0x101: {  	s4 =	sadd.s32 $0x400, s4;
	v4 =	vld.idx.msk [tilespmem:v4+s24+$0x0], $0xffff;
	[tilespmem:s5+$0x100] =	vst v15  }
0x102: {  	v5 =	vld.idx.msk [tilespmem:v5+s24+$0x0], $0xffff;
	[tilespmem:s4+$0x180] =	vst v7  }
0x103: {  	[tilespmem:s5+$0xFFFFFE00] =	vst v9;
	v7 =	vld [tilespmem:s2+$0x190]  }
0x104: {  	v8 =	vld.idx.msk [tilespmem:v8+s24+$0x0], $0xffff;
	[tilespmem:s4+$0xFFFFFE80] =	vst v1  }
0x105: {  	[tilespmem:s4+$0xFFFFFF00] =	vst v2;
	v1 =	vld.idx.msk [tilespmem:v6+s24+$0x0], $0xffff  }
0x106: {  	v2 =	vld [tilespmem:s2+$0xFFFFFE90];
	[tilespmem:s4+$0xFFFFFF80] =	vst v3  }
0x107: {  	v3 =	vld [tilespmem:s2+$0xFFFFFF10];
	[tilespmem:s4+$0x0] =	vst v4  }
0x108: {  	v4 =	vld [tilespmem:s2+$0xFFFFFF90];
	[tilespmem:s4+$0x80] =	vst v5  }
0x109: {  	v5 =	vld [tilespmem:s2+$0x10]  }
0x10a: {  	[tilespmem:s4+$0xFFFFFE00] =	vst v8;
	v6 =	vld [tilespmem:s2+$0x90]  }
0x10b: {  	[tilespmem:s4+$0x100] =	vst v1;
	v1 =	vld.idx.msk [tilespmem:v7+s23+$0x0], $0xffff  }
0x10c: {  	v8 =	vld [tilespmem:s2+$0xFFFFFE10]  }
0x10d: {  	v9 =	vld [tilespmem:s2+$0x110]  }
0x10e: {  	v10 =	vld.idx.msk [tilespmem:v2+s23+$0x0], $0xffff  }
0x10f: {  	v11 =	vld.idx.msk [tilespmem:v3+s23+$0x0], $0xffff  }
0x110: {  	v12 =	vld.idx.msk [tilespmem:v4+s23+$0x0], $0xffff  }
0x111: {  	v13 =	vld.idx.msk [tilespmem:v5+s23+$0x0], $0xffff;
	[tilespmem:s5+$0x190] =	vst v1  }
0x112: {  	v1 =	vld.idx.msk [tilespmem:v7+s24+$0x0], $0xffff  }
0x113: {  	v7 =	vld.idx.msk [tilespmem:v6+s23+$0x0], $0xffff  }
0x114: {  	v14 =	vld.idx.msk [tilespmem:v8+s23+$0x0], $0xffff;
	[tilespmem:s5+$0xFFFFFE90] =	vst v10  }
0x115: {  	[tilespmem:s5+$0xFFFFFF10] =	vst v11;
	v10 =	vld.idx.msk [tilespmem:v9+s23+$0x0], $0xffff  }
0x116: {  	v2 =	vld.idx.msk [tilespmem:v2+s24+$0x0], $0xffff;
	[tilespmem:s5+$0xFFFFFF90] =	vst v12  }
0x117: {  	v3 =	vld.idx.msk [tilespmem:v3+s24+$0x0], $0xffff;
	[tilespmem:s5+$0x10] =	vst v13  }
0x118: {  	v4 =	vld.idx.msk [tilespmem:v4+s24+$0x0], $0xffff;
	[tilespmem:s4+$0x190] =	vst v1  }
0x119: {  	[tilespmem:s5+$0x90] =	vst v7;
	v1 =	vld [tilespmem:s2+$0x1A0]  }
0x11a: {  	[tilespmem:s5+$0xFFFFFE10] =	vst v14;
	v5 =	vld.idx.msk [tilespmem:v5+s24+$0x0], $0xffff  }
0x11b: {  	v7 =	vld.idx.msk [tilespmem:v8+s24+$0x0], $0xffff;
	[tilespmem:s5+$0x110] =	vst v10  }
0x11c: {  	[tilespmem:s4+$0xFFFFFE90] =	vst v2;
	v2 =	vld.idx.msk [tilespmem:v6+s24+$0x0], $0xffff  }
0x11d: {  	[tilespmem:s4+$0xFFFFFF10] =	vst v3;
	v3 =	vld.idx.msk [tilespmem:v9+s24+$0x0], $0xffff  }
0x11e: {  	v6 =	vld [tilespmem:s2+$0xFFFFFEA0];
	[tilespmem:s4+$0xFFFFFF90] =	vst v4  }
0x11f: {  	v4 =	vld [tilespmem:s2+$0xFFFFFF20]  }
0x120: {  	v8 =	vld [tilespmem:s2+$0xFFFFFFA0];
	[tilespmem:s4+$0x10] =	vst v5  }
0x121: {  	[tilespmem:s4+$0xFFFFFE10] =	vst v7;
	v5 =	vld.idx.msk [tilespmem:v1+s23+$0x0], $0xffff  }
0x122: {  	v7 =	vld [tilespmem:s2+$0xFFFFFE20];
	[tilespmem:s4+$0x90] =	vst v2  }
0x123: {  	v2 =	vld [tilespmem:s2+$0x20];
	[tilespmem:s4+$0x110] =	vst v3  }
0x124: {  	v3 =	vld [tilespmem:s2+$0xA0]  }
0x125: {  	v9 =	vld [tilespmem:s2+$0x120]  }
0x126: {  	v10 =	vld.idx.msk [tilespmem:v6+s23+$0x0], $0xffff  }
0x127: {  	v11 =	vld.idx.msk [tilespmem:v4+s23+$0x0], $0xffff;
	[tilespmem:s5+$0x1A0] =	vst v5  }
0x128: {  	v1 =	vld.idx.msk [tilespmem:v1+s24+$0x0], $0xffff  }
0x129: {  	v5 =	vld.idx.msk [tilespmem:v8+s23+$0x0], $0xffff  }
0x12a: {  	v12 =	vld.idx.msk [tilespmem:v7+s23+$0x0], $0xffff  }
0x12b: {  	v13 =	vld.idx.msk [tilespmem:v2+s23+$0x0], $0xffff  }
0x12c: {  	[tilespmem:s5+$0xFFFFFEA0] =	vst v10;
	v10 =	vld.idx.msk [tilespmem:v3+s23+$0x0], $0xffff  }
0x12d: {  	[tilespmem:s5+$0xFFFFFF20] =	vst v11;
	v11 =	vld.idx.msk [tilespmem:v9+s23+$0x0], $0xffff  }
0x12e: {  	v6 =	vld.idx.msk [tilespmem:v6+s24+$0x0], $0xffff;
	[tilespmem:s4+$0x1A0] =	vst v1  }
0x12f: {  	[tilespmem:s5+$0xFFFFFFA0] =	vst v5;
	v1 =	vld [tilespmem:s2+$0x1B0]  }
0x130: {  	[tilespmem:s5+$0xFFFFFE20] =	vst v12;
	v4 =	vld.idx.msk [tilespmem:v4+s24+$0x0], $0xffff  }
0x131: {  	v5 =	vld.idx.msk [tilespmem:v7+s24+$0x0], $0xffff;
	[tilespmem:s5+$0x20] =	vst v13  }
0x132: {  	v7 =	vld.idx.msk [tilespmem:v8+s24+$0x0], $0xffff;
	[tilespmem:s5+$0xA0] =	vst v10  }
0x133: {  	v2 =	vld.idx.msk [tilespmem:v2+s24+$0x0], $0xffff;
	[tilespmem:s5+$0x120] =	vst v11  }
0x134: {  	[tilespmem:s4+$0xFFFFFEA0] =	vst v6;
	v3 =	vld.idx.msk [tilespmem:v3+s24+$0x0], $0xffff  }
0x135: {  	v6 =	vld.idx.msk [tilespmem:v9+s24+$0x0], $0xffff  }
0x136: {  	v8 =	vld [tilespmem:s2+$0xFFFFFEB0];
	[tilespmem:s4+$0xFFFFFF20] =	vst v4  }
0x137: {  	[tilespmem:s4+$0xFFFFFE20] =	vst v5;
	v4 =	vld.idx.msk [tilespmem:v1+s23+$0x0], $0xffff  }
0x138: {  	v5 =	vld [tilespmem:s2+$0xFFFFFE30];
	[tilespmem:s4+$0xFFFFFFA0] =	vst v7  }
0x139: {  	v7 =	vld [tilespmem:s2+$0xFFFFFF30];
	[tilespmem:s4+$0x20] =	vst v2  }
0x13a: {  	v2 =	vld [tilespmem:s2+$0xFFFFFFB0];
	[tilespmem:s4+$0xA0] =	vst v3  }
0x13b: {  	v3 =	vld [tilespmem:s2+$0x30];
	[tilespmem:s4+$0x120] =	vst v6  }
0x13c: {  	v6 =	vld [tilespmem:s2+$0xB0]  }
0x13d: {  	v9 =	vld [tilespmem:s2+$0x130];
	[tilespmem:s5+$0x1B0] =	vst v4  }
0x13e: {  	v1 =	vld.idx.msk [tilespmem:v1+s24+$0x0], $0xffff  }
0x13f: {  	v4 =	vld.idx.msk [tilespmem:v8+s23+$0x0], $0xffff  }
0x140: {  	v10 =	vld.idx.msk [tilespmem:v5+s23+$0x0], $0xffff  }
0x141: {  	v11 =	vld.idx.msk [tilespmem:v7+s23+$0x0], $0xffff  }
0x142: {  	v12 =	vld.idx.msk [tilespmem:v2+s23+$0x0], $0xffff  }
0x143: {  	v13 =	vld.idx.msk [tilespmem:v3+s23+$0x0], $0xffff  }
0x144: {  	v14 =	vld.idx.msk [tilespmem:v6+s23+$0x0], $0xffff;
	[tilespmem:s4+$0x1B0] =	vst v1  }
0x145: {  	[tilespmem:s5+$0xFFFFFEB0] =	vst v4;
	v1 =	vld [tilespmem:s2+$0x1C0]  }
0x146: {  	[tilespmem:s5+$0xFFFFFE30] =	vst v10;
	v4 =	vld.idx.msk [tilespmem:v9+s23+$0x0], $0xffff  }
0x147: {  	v5 =	vld.idx.msk [tilespmem:v5+s24+$0x0], $0xffff;
	[tilespmem:s5+$0xFFFFFF30] =	vst v11  }
0x148: {  	v8 =	vld.idx.msk [tilespmem:v8+s24+$0x0], $0xffff;
	[tilespmem:s5+$0xFFFFFFB0] =	vst v12  }
0x149: {  	v7 =	vld.idx.msk [tilespmem:v7+s24+$0x0], $0xffff;
	[tilespmem:s5+$0x30] =	vst v13  }
0x14a: {  	v2 =	vld.idx.msk [tilespmem:v2+s24+$0x0], $0xffff;
	[tilespmem:s5+$0xB0] =	vst v14  }
0x14b: {  	v3 =	vld.idx.msk [tilespmem:v3+s24+$0x0], $0xffff  }
0x14c: {  	v6 =	vld.idx.msk [tilespmem:v6+s24+$0x0], $0xffff;
	[tilespmem:s5+$0x130] =	vst v4  }
0x14d: {  	[tilespmem:s4+$0xFFFFFE30] =	vst v5;
	v4 =	vld.idx.msk [tilespmem:v1+s23+$0x0], $0xffff  }
0x14e: {  	[tilespmem:s4+$0xFFFFFEB0] =	vst v8;
	v5 =	vld.idx.msk [tilespmem:v9+s24+$0x0], $0xffff  }
0x14f: {  	v8 =	vld [tilespmem:s2+$0xFFFFFE40];
	[tilespmem:s4+$0xFFFFFF30] =	vst v7  }
0x150: {  	v7 =	vld [tilespmem:s2+$0xFFFFFEC0];
	[tilespmem:s4+$0xFFFFFFB0] =	vst v2  }
0x151: {  	v2 =	vld [tilespmem:s2+$0xFFFFFF40];
	[tilespmem:s4+$0x30] =	vst v3  }
0x152: {  	v3 =	vld [tilespmem:s2+$0xFFFFFFC0];
	[tilespmem:s4+$0xB0] =	vst v6  }
0x153: {  	v6 =	vld [tilespmem:s2+$0x40];
	[tilespmem:s5+$0x1C0] =	vst v4  }
0x154: {  	[tilespmem:s4+$0x130] =	vst v5;
	v1 =	vld.idx.msk [tilespmem:v1+s24+$0x0], $0xffff  }
0x155: {  	v4 =	vld [tilespmem:s2+$0xC0]  }
0x156: {  	v5 =	vld [tilespmem:s2+$0x140]  }
0x157: {  	v9 =	vld.idx.msk [tilespmem:v8+s23+$0x0], $0xffff  }
0x158: {  	v10 =	vld.idx.msk [tilespmem:v7+s23+$0x0], $0xffff  }
0x159: {  	v11 =	vld.idx.msk [tilespmem:v2+s23+$0x0], $0xffff  }
0x15a: {  	v12 =	vld.idx.msk [tilespmem:v3+s23+$0x0], $0xffff;
	[tilespmem:s4+$0x1C0] =	vst v1  }
0x15b: {  	v1 =	vld [tilespmem:s2+$0x1D0]  }
0x15c: {  	v13 =	vld.idx.msk [tilespmem:v6+s23+$0x0], $0xffff  }
0x15d: {  	[tilespmem:s5+$0xFFFFFE40] =	vst v9;
	v9 =	vld.idx.msk [tilespmem:v4+s23+$0x0], $0xffff  }
0x15e: {  	[tilespmem:s5+$0xFFFFFEC0] =	vst v10;
	v10 =	vld.idx.msk [tilespmem:v5+s23+$0x0], $0xffff  }
0x15f: {  	v8 =	vld.idx.msk [tilespmem:v8+s24+$0x0], $0xffff;
	[tilespmem:s5+$0xFFFFFF40] =	vst v11  }
0x160: {  	v7 =	vld.idx.msk [tilespmem:v7+s24+$0x0], $0xffff;
	[tilespmem:s5+$0xFFFFFFC0] =	vst v12  }
0x161: {  	v2 =	vld.idx.msk [tilespmem:v2+s24+$0x0], $0xffff  }
0x162: {  	v3 =	vld.idx.msk [tilespmem:v3+s24+$0x0], $0xffff;
	[tilespmem:s5+$0x40] =	vst v13  }
0x163: {  	[tilespmem:s5+$0xC0] =	vst v9;
	v9 =	vld.idx.msk [tilespmem:v1+s23+$0x0], $0xffff  }
0x164: {  	v6 =	vld.idx.msk [tilespmem:v6+s24+$0x0], $0xffff;
	[tilespmem:s5+$0x140] =	vst v10  }
0x165: {  	[tilespmem:s4+$0xFFFFFE40] =	vst v8;
	v4 =	vld.idx.msk [tilespmem:v4+s24+$0x0], $0xffff  }
0x166: {  	[tilespmem:s4+$0xFFFFFEC0] =	vst v7;
	v5 =	vld.idx.msk [tilespmem:v5+s24+$0x0], $0xffff  }
0x167: {  	v7 =	vld [tilespmem:s2+$0xFFFFFE50];
	[tilespmem:s4+$0xFFFFFF40] =	vst v2  }
0x168: {  	v2 =	vld [tilespmem:s2+$0xFFFFFED0];
	[tilespmem:s4+$0xFFFFFFC0] =	vst v3  }
0x169: {  	v3 =	vld [tilespmem:s2+$0xFFFFFF50];
	[tilespmem:s5+$0x1D0] =	vst v9  }
0x16a: {  	[tilespmem:s4+$0x40] =	vst v6;
	v1 =	vld.idx.msk [tilespmem:v1+s24+$0x0], $0xffff  }
0x16b: {  	v6 =	vld [tilespmem:s2+$0xFFFFFFD0];
	[tilespmem:s4+$0xC0] =	vst v4  }
0x16c: {  	v4 =	vld [tilespmem:s2+$0x50];
	[tilespmem:s4+$0x140] =	vst v5  }
0x16d: {  	v5 =	vld [tilespmem:s2+$0xD0]  }
0x16e: {  	v8 =	vld [tilespmem:s2+$0x150]  }
0x16f: {  	v9 =	vld.idx.msk [tilespmem:v7+s23+$0x0], $0xffff  }
0x170: {  	v10 =	vld.idx.msk [tilespmem:v2+s23+$0x0], $0xffff;
	[tilespmem:s4+$0x1D0] =	vst v1  }
0x171: {  	v1 =	vld [tilespmem:s2+$0x1E0]  }
0x172: {  	v11 =	vld.idx.msk [tilespmem:v3+s23+$0x0], $0xffff  }
0x173: {  	v12 =	vld.idx.msk [tilespmem:v6+s23+$0x0], $0xffff  }
0x174: {  	v13 =	vld.idx.msk [tilespmem:v4+s23+$0x0], $0xffff  }
0x175: {  	[tilespmem:s5+$0xFFFFFE50] =	vst v9;
	v9 =	vld.idx.msk [tilespmem:v5+s23+$0x0], $0xffff  }
0x176: {  	[tilespmem:s5+$0xFFFFFED0] =	vst v10;
	v10 =	vld.idx.msk [tilespmem:v8+s23+$0x0], $0xffff  }
0x177: {  	v7 =	vld.idx.msk [tilespmem:v7+s24+$0x0], $0xffff  }
0x178: {  	v2 =	vld.idx.msk [tilespmem:v2+s24+$0x0], $0xffff;
	[tilespmem:s5+$0xFFFFFF50] =	vst v11  }
0x179: {  	[tilespmem:s5+$0xFFFFFFD0] =	vst v12;
	v11 =	vld.idx.msk [tilespmem:v1+s23+$0x0], $0xffff  }
0x17a: {  	v3 =	vld.idx.msk [tilespmem:v3+s24+$0x0], $0xffff;
	[tilespmem:s5+$0x50] =	vst v13  }
0x17b: {  	v6 =	vld.idx.msk [tilespmem:v6+s24+$0x0], $0xffff;
	[tilespmem:s5+$0xD0] =	vst v9  }
0x17c: {  	v4 =	vld.idx.msk [tilespmem:v4+s24+$0x0], $0xffff;
	[tilespmem:s5+$0x150] =	vst v10  }
0x17d: {  	[tilespmem:s4+$0xFFFFFE50] =	vst v7;
	v5 =	vld.idx.msk [tilespmem:v5+s24+$0x0], $0xffff  }
0x17e: {  	[tilespmem:s4+$0xFFFFFED0] =	vst v2;
	v2 =	vld.idx.msk [tilespmem:v8+s24+$0x0], $0xffff  }
0x17f: {  	v7 =	vld [tilespmem:s2+$0xFFFFFE60];
	[tilespmem:s5+$0x1E0] =	vst v11  }
0x180: {  	[tilespmem:s4+$0xFFFFFF50] =	vst v3;
	v1 =	vld.idx.msk [tilespmem:v1+s24+$0x0], $0xffff  }
0x181: {  	v3 =	vld [tilespmem:s2+$0xFFFFFEE0];
	[tilespmem:s4+$0xFFFFFFD0] =	vst v6  }
0x182: {  	v6 =	vld [tilespmem:s2+$0xFFFFFF60];
	[tilespmem:s4+$0x50] =	vst v4  }
0x183: {  	v4 =	vld [tilespmem:s2+$0xFFFFFFE0];
	[tilespmem:s4+$0xD0] =	vst v5  }
0x184: {  	v5 =	vld [tilespmem:s2+$0x60];
	[tilespmem:s4+$0x150] =	vst v2  }
0x185: {  	v2 =	vld [tilespmem:s2+$0xE0]  }
0x186: {  	v8 =	vld [tilespmem:s2+$0x160];
	[tilespmem:s4+$0x1E0] =	vst v1  }
0x187: {  	v1 =	vld [tilespmem:s2+$0x1F0]  }
0x188: {  	v9 =	vld.idx.msk [tilespmem:v7+s23+$0x0], $0xffff  }
0x189: {  	v10 =	vld.idx.msk [tilespmem:v3+s23+$0x0], $0xffff  }
0x18a: {  	v11 =	vld.idx.msk [tilespmem:v6+s23+$0x0], $0xffff  }
0x18b: {  	v12 =	vld.idx.msk [tilespmem:v4+s23+$0x0], $0xffff  }
0x18c: {  	v13 =	vld.idx.msk [tilespmem:v5+s23+$0x0], $0xffff  }
0x18d: {  	v14 =	vld.idx.msk [tilespmem:v2+s23+$0x0], $0xffff  }
0x18e: {  	[tilespmem:s5+$0xFFFFFE60] =	vst v9;
	v9 =	vld.idx.msk [tilespmem:v8+s23+$0x0], $0xffff  }
0x18f: {  	[tilespmem:s5+$0xFFFFFEE0] =	vst v10;
	v10 =	vld.idx.msk [tilespmem:v1+s23+$0x0], $0xffff  }
0x190: {  	v7 =	vld.idx.msk [tilespmem:v7+s24+$0x0], $0xffff;
	[tilespmem:s5+$0xFFFFFF60] =	vst v11  }
0x191: {  	v3 =	vld.idx.msk [tilespmem:v3+s24+$0x0], $0xffff;
	[tilespmem:s5+$0xFFFFFFE0] =	vst v12  }
0x192: {  	v6 =	vld.idx.msk [tilespmem:v6+s24+$0x0], $0xffff;
	[tilespmem:s5+$0x60] =	vst v13  }
0x193: {  	v4 =	vld.idx.msk [tilespmem:v4+s24+$0x0], $0xffff;
	[tilespmem:s5+$0xE0] =	vst v14  }
0x194: {  	v5 =	vld.idx.msk [tilespmem:v5+s24+$0x0], $0xffff;
	[tilespmem:s5+$0x160] =	vst v9  }
0x195: {  	v2 =	vld.idx.msk [tilespmem:v2+s24+$0x0], $0xffff;
	[tilespmem:s5+$0x1F0] =	vst v10  }
0x196: {  	[tilespmem:s4+$0xFFFFFE60] =	vst v7;
	v1 =	vld.idx.msk [tilespmem:v1+s24+$0x0], $0xffff  }
0x197: {  	[tilespmem:s4+$0xFFFFFEE0] =	vst v3;
	v3 =	vld.idx.msk [tilespmem:v8+s24+$0x0], $0xffff  }
0x198: {  	v7 =	vld [tilespmem:s2+$0xFFFFFE70];
	[tilespmem:s4+$0xFFFFFF60] =	vst v6  }
0x199: {  	v6 =	vld [tilespmem:s2+$0xFFFFFEF0];
	[tilespmem:s4+$0xFFFFFFE0] =	vst v4  }
0x19a: {  	v4 =	vld [tilespmem:s2+$0xFFFFFF70];
	[tilespmem:s4+$0x60] =	vst v5  }
0x19b: {  	v5 =	vld [tilespmem:s2+$0xFFFFFFF0];
	[tilespmem:s4+$0xE0] =	vst v2  }
0x19c: {  	v8 =	vld [tilespmem:s2+$0x70];
	[tilespmem:s4+$0x1F0] =	vst v1  }
0x19d: {  	v9 =	vld [tilespmem:s2+$0xF0];
	[tilespmem:s4+$0x160] =	vst v3  }
0x19e: {  	v1 =	vld [tilespmem:s2+$0x170]  }
0x19f: {  	v2 =	vld.idx.msk [tilespmem:v0+s24+$0x0], $0xffff  }
0x1a0: {  	v3 =	vld.idx.msk [tilespmem:v7+s23+$0x0], $0xffff  }
0x1a1: {  	v10 =	vld.idx.msk [tilespmem:v6+s23+$0x0], $0xffff  }
0x1a2: {  	v11 =	vld.idx.msk [tilespmem:v4+s23+$0x0], $0xffff  }
0x1a3: {  	v12 =	vld.idx.msk [tilespmem:v5+s23+$0x0], $0xffff;
	v0 =	vmov v1  }
0x1a4: {  	v13 =	vld.idx.msk [tilespmem:v8+s23+$0x0], $0xffff  }
0x1a5: {  	v14 =	vld.idx.msk [tilespmem:v9+s23+$0x0], $0xffff;
	[tilespmem:s0+$0x170] =	vst v2;
	s0 =	smov.u32 s4  }
0x1a6: {  	[tilespmem:s5+$0xFFFFFE70] =	vst v3;
	v15 =	vld.idx.msk [tilespmem:v1+s23+$0x0], $0xffff  }
0x1a7: {  	v1 =	vld.idx.msk [tilespmem:v7+s24+$0x0], $0xffff;
	[tilespmem:s5+$0xFFFFFEF0] =	vst v10  }
.Ltmp0:
0x1a8: {  	v2 =	vld.idx.msk [tilespmem:v6+s24+$0x0], $0xffff;
	[tilespmem:s5+$0xFFFFFF70] =	vst v11;
	(pc) =	sbr.rel @p0 .LBB2_2-.Ltmp0, $4  }
0x1a9: {  	v3 =	vld.idx.msk [tilespmem:v4+s24+$0x0], $0xffff;
	[tilespmem:s5+$0xFFFFFFF0] =	vst v12  }
0x1aa: {  	v4 =	vld.idx.msk [tilespmem:v5+s24+$0x0], $0xffff;
	[tilespmem:s5+$0x70] =	vst v13  }
0x1ab: {  	v5 =	vld.idx.msk [tilespmem:v8+s24+$0x0], $0xffff;
	[tilespmem:s5+$0xF0] =	vst v14  }
0x1ac: {  	s2 =	sadd.s32 $0x400, s2;
	v6 =	vld.idx.msk [tilespmem:v9+s24+$0x0], $0xffff;
	[tilespmem:s5+$0x170] =	vst v15  }
0x1ad: {  	_ =	sdelay $0x2  }
0x1ae: {  	[tilespmem:s4+$0xFFFFFE70] =	vst v1  }
0x1af: {  	[tilespmem:s4+$0xFFFFFEF0] =	vst v2;
	v0 =	vld.idx.msk [tilespmem:v0+s24+$0x0], $0xffff  }
0x1b0: {  	[tilespmem:s4+$0xFFFFFF70] =	vst v3  }
0x1b1: {  	[tilespmem:s4+$0xFFFFFFF0] =	vst v4  }
0x1b2: {  	[tilespmem:s4+$0x70] =	vst v5  }
0x1b3: {  	[tilespmem:s4+$0xF0] =	vst v6  }
0x1b4: {  	[tilespmem:s0+$0x170] =	vst v0  }
0x1b5: {  	[hbm4b:s10+s21] =	stream.strided.scatter [tilespmem:s26], [sflag:$0x3], $0x4000, s22, s21, $0x38;
	[tilespmem:$0x14800] =	vst v63  }
0x1b6: {  	_ = 	snop  }
0x1b7: {  	[hbm4b:s11+s21] =	stream.strided.scatter [tilespmem:s28], [sflag:$0x3], $0x4000, s22, s21, $0x38;
	[tilespmem:$0x14800] =	vst v63  }
0x1b8: {  	_ =	swait.ge [sflag:s29], $0x200  }
0x1b9: {  	[sflag:s29] =	ssyncset.done $0x0  }
0x1ba: {  	[sflag:s29] =	ssyncadd.s32 $0xFFFFFE00  }
0x1bb: {  	_ =	swait.ge [sflag:s29], $0x200  }
0x1bc: {  	[sflag:s29] =	ssyncset.done $0x0  }
0x1bd: {  	[sflag:s29] =	ssyncadd.s32 $0xFFFFFE00  }
0x1be: {  	_ =	swait.ge [sflag:s29], $0x200  }
0x1bf: {  	[sflag:s29] =	ssyncset.done $0x0  }
0x1c0: {  	[sflag:s29] =	ssyncadd.s32 $0xFFFFFE00  }
0x1c1: {  	[hbm4b:s12+s6] =	stream.linear.scatter [tilespmem:s18], [sflag:$0x4], $0x200, $0x38;
	[tilespmem:$0x14800] =	vst v63  }
0x1c2: {  	_ =	swait.ge [sflag:s17], $0x200  }
0x1c3: {  	[sflag:s17] =	ssyncset.done $0x0  }
0x1c4: {  	[sflag:s17] =	ssyncadd.s32 $0xFFFFFE00  }
0x1c5: {  	[hbm4b:s13+s6] =	stream.linear.scatter [tilespmem:s19], [sflag:$0x4], $0x200, $0x38;
	[tilespmem:$0x14800] =	vst v63  }
0x1c6: {  	_ =	swait.ge [sflag:s17], $0x200  }
0x1c7: {  	[sflag:s17] =	ssyncset.done $0x0  }
0x1c8: {  	[sflag:s17] =	ssyncadd.s32 $0xFFFFFE00  }
0x1c9: {  	[hbm4b:s14+s6] =	stream.linear.scatter [tilespmem:s20], [sflag:$0x4], $0x200, $0x38;
	[tilespmem:$0x14800] =	vst v63  }
0x1ca: {  	_ =	swait.ge [sflag:s17], $0x200  }
0x1cb: {  	[sflag:s17] =	ssyncset.done $0x0  }
0x1cc: {  	s31 =	sadd.s32 $0x1, s31;
	[sflag:s17] =	ssyncadd.s32 $0xFFFFFE00  }
0x1cd: {  	p0 =	sne.s32 s31, s15;
	_ =	swait.ge [sflag:s30], $0x4000  }
.Ltmp1:
0x1ce: {  	[sflag:s30] =	ssyncset.done $0x0;
	(pc) =	sbr.rel @p0 .LBB2_1-.Ltmp1, $4  }
0x1cf: {  	[sflag:s30] =	ssyncadd.s32 $0xFFFFC000  }
0x1d0: {  	_ =	swait.ge [sflag:s30], $0x4000  }
0x1d1: {  	[sflag:s30] =	ssyncset.done $0x0  }
0x1d2: {  	[sflag:s30] =	ssyncadd.s32 $0xFFFFC000  }
0x1d3: {  	_ =	sfence.sel $0x180000  }
0x1d4: {  	[bflag:$0x0] =	sbarrier.arrive $0xFFFF  }
0x1d5: {  	_ =	strace $0x90000047  }
0x1d6: {  	s0 =	stileid.u32;
	[bflag:$0x2] =	sbarrier.arrive $0xFFFF  }
0x1d7: {  	p0 =	sne.s32 s0, $0x0;
	s0 =	rddreg [dreg:$0x9]  }
0x1d8: {  	s0 =	sadd.s32 @!p0 $0x100000, s0  }
0x1d9: {  	[sflag:s0] =	ssyncadd.tile.s32 @!p0 $0x1;
	_ =	shalt  }
.Lfunc_end2:
_tile_overlayer_lowered:
.L_overlay_start_2:
0x1da: {  	(tag) =	ssettag $0x2  }
0x1db: {  	s0 =	rddreg [dreg:$0x0];
	s2 =	stileid.u32  }
0x1dc: {  	s1 =	rddreg [dreg:$0x1];
	p0 =	sne.s32 s2, $0x0  }
0x1dd: {  	s3 =	rddreg [dreg:$0x2];
	[bflag:$0x3] =	sbarrier.arrive $0xFFFF;
	s2 =	simm.s32 @!p0 $0x1C04  }
0x1de: {  	[timem:s3], [sflag:s2] =	dma.local @!p0 [hbm:s0], s1  }
0x1df: {  	s0 =	simm.s32 @!p0 $0x4  }
0x1e0: {  	_ =	swait.ge @!p0 [sflag:s0], s1  }
0x1e1: {  	s1 =	ssub.s32 @!p0 $0x0, s1;
	[sflag:s0] =	ssyncset.done @!p0 $0x0  }
0x1e2: {  	[sflag:s0] =	ssyncadd.s32 @!p0 s1  }
0x1e3: {  	[bflag:$0x3] =	sbarrier.arrive $0xFFFF  }
0x1e4: {  	_ =	shalt  }

</sc_bundles>
